<compile_context>
chip_gen: v7x
topology: tpu7x:2x2x1
jax: 0.10.2.dev20260603
libtpu: 0.0.44.dev20260713+nightly
codegen_flags: <defaults>
</compile_context>

<pallas_src>
import functools

import jax
import jax.numpy as jnp
from jax import lax
from jax.experimental import pallas as pl
from jax.experimental.pallas import tpu as pltpu
from jax.experimental.pallas import tpu_sc as plsc

_BLK_N = 512
_NW = 32
_CH = 128


def _assign_kernel(x_ref, cb_ref, idx_ref, loss_ref, hcn_ref):
    i = pl.program_id(0)

    @pl.when(i == 0)
    def _():
        cb0 = cb_ref[:]
        hcn_ref[:] = 0.5 * jnp.sum(cb0 * cb0, axis=1, keepdims=True)

    x = x_ref[:]
    s = lax.dot_general(
        cb_ref[:], x, (((1,), (1,)), ((), ())),
        preferred_element_type=jnp.float32,
    )
    s = s - hcn_ref[:]
    m = jnp.max(s, axis=0)
    idx_ref[0, 0, :] = jnp.argmax(s, axis=0).astype(jnp.int32)
    part = jnp.sum(x * x) - 2.0 * jnp.sum(m)

    @pl.when(i == 0)
    def _():
        loss_ref[0, 0] = part

    @pl.when(i > 0)
    def _():
        loss_ref[0, 0] += part


def _make_gather(n: int, d: int):
    tok_per_w = n // _NW
    nch = tok_per_w // _CH
    mesh = plsc.VectorSubcoreMesh(core_axis_name="c", subcore_axis_name="s")

    @functools.partial(
        pl.kernel,
        mesh=mesh,
        out_type=jax.ShapeDtypeStruct((n, d), jnp.float32),
        scratch_types=[
            pltpu.VMEM((nch, _CH), jnp.int32),
            pltpu.VMEM((2, _CH, d), jnp.float32),
            pltpu.SemaphoreType.DMA,
        ],
    )
    def gather_k(cb_hbm, idx_hbm, out_hbm, idx_v, rows_v, sem):
        wid = lax.axis_index("s") * 2 + lax.axis_index("c")
        rbase = wid * nch
        tbase = wid * tok_per_w
        pltpu.sync_copy(idx_hbm.at[pl.ds(rbase, nch)], idx_v)
        handles = [None, None]
        handles[0] = pltpu.async_copy(
            cb_hbm.at[idx_v.at[0]], rows_v.at[0], sem)
        for j in range(nch):
            handles[j % 2].wait()
            if j + 1 < nch:
                handles[(j + 1) % 2] = pltpu.async_copy(
                    cb_hbm.at[idx_v.at[j + 1]], rows_v.at[(j + 1) % 2], sem)
            pltpu.sync_copy(rows_v.at[j % 2],
                            out_hbm.at[pl.ds(tbase + j * _CH, _CH)])

    return gather_k


def kernel(motion_input, codebook):
    b, t, d = motion_input.shape
    k = codebook.shape[0]
    n = b * t
    nb = n // _BLK_N
    flat = motion_input.reshape(n, d)

    idx, loss_sum = pl.pallas_call(
        _assign_kernel,
        grid=(nb,),
        in_specs=[
            pl.BlockSpec((_BLK_N, d), lambda i: (i, 0)),
            pl.BlockSpec((k, d), lambda i: (0, 0)),
        ],
        out_specs=[
            pl.BlockSpec((1, 1, _BLK_N), lambda i: (i, 0, 0)),
            pl.BlockSpec(memory_space=pltpu.SMEM),
        ],
        out_shape=[
            jax.ShapeDtypeStruct((nb, 1, _BLK_N), jnp.int32),
            jax.ShapeDtypeStruct((1, 1), jnp.float32),
        ],
        scratch_shapes=[pltpu.VMEM((k, 1), jnp.float32)],
    )(flat, codebook)

    idx_flat = idx.reshape(n)
    q = _make_gather(n, d)(codebook, idx_flat.reshape(n // _CH, _CH))

    quantize = q.reshape(b, t, d)
    embed_ind = idx_flat.reshape(b, t)
    loss = loss_sum[0, 0] / jnp.float32(n * d)
    return (quantize, embed_ind, loss)

# --- scband reference (transcript-rebuilt; emitter-appended) ---
"""Pipeline reference for scband-vector-quantization-12051678233122 (READ-ONLY COPY).

The authoritative reference and input builder live on the scoring server;
editing this copy changes nothing except your own understanding.
"""

import jax, jax.numpy as jnp
import numpy as np

B, T, D, K = 16, 2048, 128, 1024

def setup_inputs(seed: int = 0) -> dict:
    key = jax.random.key(seed)
    k1, k2 = jax.random.split(key)
    motion_input = jax.random.normal(k1, (B, T, D), dtype=jnp.float32)
    # learned codebook (EuclideanCodebook.embed), kmeans_init=False -> random init
    codebook = jax.random.normal(k2, (K, D), dtype=jnp.float32)
    return {"motion_input": motion_input, "codebook": codebook}

def reference(motion_input, codebook):
    x = motion_input  # project_in is Identity since dim == codebook dim
    b, t, d = x.shape
    flat = x.reshape(-1, d)  # preprocess: flatten to [N, D]
    # negative squared euclidean distance to each code
    dist = -(jnp.sum(flat * flat, axis=1, keepdims=True)
             - 2.0 * flat @ codebook.T
             + jnp.sum(codebook * codebook, axis=1)[None, :])
    embed_ind_flat = jnp.argmax(dist, axis=-1)  # nearest code per token
    quantize = jnp.take(codebook, embed_ind_flat, axis=0).reshape(b, t, d)  # dequantize
    embed_ind = embed_ind_flat.reshape(b, t)
    # commitment loss (commitment_weight = 1.0): mse(quantize.detach(), x)
    loss = jnp.mean((jax.lax.stop_gradient(quantize) - x) ** 2)
    # straight-through estimator
    quantize = x + jax.lax.stop_gradient(quantize - x)
    # project_out is Identity
    return (quantize, embed_ind, loss)

if __name__ == "__main__":
    import jax
    _d = setup_inputs()
    print(jax.jit(kernel)(*tuple(_d.values())))

</pallas_src>

<mosaic_0001>
#map = affine_map<(d0, d1) -> (0, 0)>
module attributes {stable_mosaic.version = 14 : i64} {
  func.func @gather_k(%arg0: i32, %arg1: i32, %arg2: memref<1024x128xf32, #tpu.memory_space<hbm>>, %arg3: memref<256x128xi32, #tpu.memory_space<hbm>>, %arg4: memref<32768x128xf32, #tpu.memory_space<hbm>>, %arg5: memref<8x128xi32, #tpu.memory_space<vmem>>, %arg6: memref<2x128x128xf32, #tpu.memory_space<vmem>>, %arg7: memref<!tpu.dma_semaphore, #tpu.memory_space<semaphore_mem>>) attributes {dimension_semantics = [#tpu.dimension_semantics<core_parallel>, #tpu.dimension_semantics<subcore_parallel>], iteration_bounds = array<i64: 2, 16>, scalar_prefetch = 0 : i64, scratch_operands = 3 : i64, tpu.core_type = #tpu.core_type<sc_vector_subcore>, window_params = [{transform_indices = #map}, {transform_indices = #map}, {transform_indices = #map}]} {
    %mul3A = arith.constant 2 : i32
    %mul3A_0 = arith.muli %arg1, %mul3A : i32
    %add3A = arith.addi %mul3A_0, %arg0 : i32
    %mul3A_1 = arith.constant 8 : i32
    %mul3A_2 = arith.muli %add3A, %mul3A_1 : i32
    %mul3A_3 = arith.constant 1024 : i32
    %mul3A_4 = arith.muli %add3A, %mul3A_3 : i32
    "tpu.region"() ({
      %run_scoped3A_218 = tpu.sem_alloc : memref<!tpu.dma_semaphore, #tpu.memory_space<semaphore_mem>>
      %dma_start3A_219 = arith.constant 0 : i32
      %dma_start3A_220 = tpu.memref_slice %arg3[%mul3A_2, %dma_start3A_219] : memref<256x128xi32, #tpu.memory_space<hbm>> -> memref<8x128xi32, #tpu.memory_space<hbm>>
      %dma_start3A_221 = arith.constant 0 : i32
      %dma_start3A_222 = tpu.memref_slice %arg3[%mul3A_2, %dma_start3A_221] : memref<256x128xi32, #tpu.memory_space<hbm>> -> memref<8x128xi32, #tpu.memory_space<hbm>>
      tpu.enqueue_dma source(%dma_start3A_222 : memref<8x128xi32, #tpu.memory_space<hbm>>) target(%arg5 : memref<8x128xi32, #tpu.memory_space<vmem>>) target_semaphore(%run_scoped3A_218 : memref<!tpu.dma_semaphore, #tpu.memory_space<semaphore_mem>>)
      %dma_wait3A_223 = arith.constant 0 : i32
      %dma_wait3A_224 = tpu.memref_slice %arg3[%mul3A_2, %dma_wait3A_223] : memref<256x128xi32, #tpu.memory_space<hbm>> -> memref<8x128xi32, #tpu.memory_space<hbm>>
      %dma_wait3A_225 = arith.constant 0 : i32
      %dma_wait3A_226 = tpu.memref_slice %arg3[%mul3A_2, %dma_wait3A_225] : memref<256x128xi32, #tpu.memory_space<hbm>> -> memref<8x128xi32, #tpu.memory_space<hbm>>
      tpu.wait_dma2 semaphore(%run_scoped3A_218 : memref<!tpu.dma_semaphore, #tpu.memory_space<semaphore_mem>>) src(%dma_wait3A_226 : memref<8x128xi32, #tpu.memory_space<hbm>>) dst(%arg5 : memref<8x128xi32, #tpu.memory_space<vmem>>)
      tpu.yield
    }) : () -> ()
    %dma_start3A = arith.constant 0 : i32
    %dma_start3A_5 = arith.constant 0 : i32
    %dma_start3A_6 = arith.constant 0 : i32
    %dma_start3A_7 = arith.constant 0 : i32
    %dma_start3A_8 = tpu.memref_slice %arg6[%dma_start3A_5, %dma_start3A_6, %dma_start3A_7] : memref<2x128x128xf32, #tpu.memory_space<vmem>> -> memref<1x128x128xf32, #tpu.memory_space<vmem>>
    %dma_start3A_9 = tpu.memref_squeeze %dma_start3A_8 : memref<1x128x128xf32, #tpu.memory_space<vmem>> -> memref<128x128xf32, #tpu.memory_space<vmem>>
    %dma_start3A_10 = arith.constant 0 : i32
    %dma_start3A_11 = tpu.memref_slice %arg5[%dma_start3A, %dma_start3A_10] : memref<8x128xi32, #tpu.memory_space<vmem>> -> memref<1x128xi32, #tpu.memory_space<vmem>>
    %dma_start3A_12 = tpu.memref_squeeze %dma_start3A_11 : memref<1x128xi32, #tpu.memory_space<vmem>> -> memref<128xi32, #tpu.memory_space<vmem>>
    %dma_start3A_13 = arith.constant 0 : i32
    %dma_start3A_14 = arith.constant 0 : i32
    %dma_start3A_15 = tpu.memref_slice %arg2[%dma_start3A_13, %dma_start3A_14] : memref<1024x128xf32, #tpu.memory_space<hbm>> -> memref<1024x128xf32, #tpu.memory_space<hbm>>
    tpu.enqueue_indirect_dma source(%dma_start3A_15 : memref<1024x128xf32, #tpu.memory_space<hbm>>) target(%dma_start3A_9 : memref<128x128xf32, #tpu.memory_space<vmem>>) offsets(%dma_start3A_12 : memref<128xi32, #tpu.memory_space<vmem>>) semaphore(%arg7 : memref<!tpu.dma_semaphore, #tpu.memory_space<semaphore_mem>>)
    %dma_wait3A = arith.constant 0 : i32
    %dma_wait3A_16 = arith.constant 0 : i32
    %dma_wait3A_17 = arith.constant 0 : i32
    %dma_wait3A_18 = arith.constant 0 : i32
    %dma_wait3A_19 = tpu.memref_slice %arg6[%dma_wait3A_16, %dma_wait3A_17, %dma_wait3A_18] : memref<2x128x128xf32, #tpu.memory_space<vmem>> -> memref<1x128x128xf32, #tpu.memory_space<vmem>>
    %dma_wait3A_20 = tpu.memref_squeeze %dma_wait3A_19 : memref<1x128x128xf32, #tpu.memory_space<vmem>> -> memref<128x128xf32, #tpu.memory_space<vmem>>
    %dma_wait3A_21 = arith.constant 0 : i32
    %dma_wait3A_22 = tpu.memref_slice %arg5[%dma_wait3A, %dma_wait3A_21] : memref<8x128xi32, #tpu.memory_space<vmem>> -> memref<1x128xi32, #tpu.memory_space<vmem>>
    %dma_wait3A_23 = tpu.memref_squeeze %dma_wait3A_22 : memref<1x128xi32, #tpu.memory_space<vmem>> -> memref<128xi32, #tpu.memory_space<vmem>>
    %dma_wait3A_24 = arith.constant 0 : i32
    %dma_wait3A_25 = arith.constant 0 : i32
    %dma_wait3A_26 = tpu.memref_slice %arg2[%dma_wait3A_24, %dma_wait3A_25] : memref<1024x128xf32, #tpu.memory_space<hbm>> -> memref<1024x128xf32, #tpu.memory_space<hbm>>
    tpu.wait_indirect_dma semaphore(%arg7 : memref<!tpu.dma_semaphore, #tpu.memory_space<semaphore_mem>>) src(%dma_wait3A_26 : memref<1024x128xf32, #tpu.memory_space<hbm>>) dst(%dma_wait3A_20 : memref<128x128xf32, #tpu.memory_space<vmem>>)
    %dma_start3A_27 = arith.constant 1 : i32
    %dma_start3A_28 = arith.constant 1 : i32
    %dma_start3A_29 = arith.constant 0 : i32
    %dma_start3A_30 = arith.constant 0 : i32
    %dma_start3A_31 = tpu.memref_slice %arg6[%dma_start3A_28, %dma_start3A_29, %dma_start3A_30] : memref<2x128x128xf32, #tpu.memory_space<vmem>> -> memref<1x128x128xf32, #tpu.memory_space<vmem>>
    %dma_start3A_32 = tpu.memref_squeeze %dma_start3A_31 : memref<1x128x128xf32, #tpu.memory_space<vmem>> -> memref<128x128xf32, #tpu.memory_space<vmem>>
    %dma_start3A_33 = arith.constant 0 : i32
    %dma_start3A_34 = tpu.memref_slice %arg5[%dma_start3A_27, %dma_start3A_33] : memref<8x128xi32, #tpu.memory_space<vmem>> -> memref<1x128xi32, #tpu.memory_space<vmem>>
    %dma_start3A_35 = tpu.memref_squeeze %dma_start3A_34 : memref<1x128xi32, #tpu.memory_space<vmem>> -> memref<128xi32, #tpu.memory_space<vmem>>
    %dma_start3A_36 = arith.constant 0 : i32
    %dma_start3A_37 = arith.constant 0 : i32
    %dma_start3A_38 = tpu.memref_slice %arg2[%dma_start3A_36, %dma_start3A_37] : memref<1024x128xf32, #tpu.memory_space<hbm>> -> memref<1024x128xf32, #tpu.memory_space<hbm>>
    tpu.enqueue_indirect_dma source(%dma_start3A_38 : memref<1024x128xf32, #tpu.memory_space<hbm>>) target(%dma_start3A_32 : memref<128x128xf32, #tpu.memory_space<vmem>>) offsets(%dma_start3A_35 : memref<128xi32, #tpu.memory_space<vmem>>) semaphore(%arg7 : memref<!tpu.dma_semaphore, #tpu.memory_space<semaphore_mem>>)
    %add3A_39 = arith.constant 0 : i32
    %add3A_40 = arith.addi %mul3A_4, %add3A_39 : i32
    %run_scoped3A = arith.constant 0 : i32
    "tpu.region"() ({
      %run_scoped3A_218 = tpu.sem_alloc : memref<!tpu.dma_semaphore, #tpu.memory_space<semaphore_mem>>
      %dma_start3A_219 = arith.constant 0 : i32
      %dma_start3A_220 = arith.constant 0 : i32
      %dma_start3A_221 = tpu.memref_slice %arg6[%run_scoped3A, %dma_start3A_219, %dma_start3A_220] : memref<2x128x128xf32, #tpu.memory_space<vmem>> -> memref<1x128x128xf32, #tpu.memory_space<vmem>>
      %dma_start3A_222 = tpu.memref_squeeze %dma_start3A_221 : memref<1x128x128xf32, #tpu.memory_space<vmem>> -> memref<128x128xf32, #tpu.memory_space<vmem>>
      %dma_start3A_223 = arith.constant 0 : i32
      %dma_start3A_224 = tpu.memref_slice %arg4[%add3A_40, %dma_start3A_223] : memref<32768x128xf32, #tpu.memory_space<hbm>> -> memref<128x128xf32, #tpu.memory_space<hbm>>
      %dma_start3A_225 = arith.constant 0 : i32
      %dma_start3A_226 = tpu.memref_slice %arg4[%add3A_40, %dma_start3A_225] : memref<32768x128xf32, #tpu.memory_space<hbm>> -> memref<128x128xf32, #tpu.memory_space<hbm>>
      %dma_start3A_227 = arith.constant 0 : i32
      %dma_start3A_228 = arith.constant 0 : i32
      %dma_start3A_229 = tpu.memref_slice %arg6[%run_scoped3A, %dma_start3A_227, %dma_start3A_228] : memref<2x128x128xf32, #tpu.memory_space<vmem>> -> memref<1x128x128xf32, #tpu.memory_space<vmem>>
      %dma_start3A_230 = tpu.memref_squeeze %dma_start3A_229 : memref<1x128x128xf32, #tpu.memory_space<vmem>> -> memref<128x128xf32, #tpu.memory_space<vmem>>
      tpu.enqueue_dma source(%dma_start3A_230 : memref<128x128xf32, #tpu.memory_space<vmem>>) target(%dma_start3A_226 : memref<128x128xf32, #tpu.memory_space<hbm>>) target_semaphore(%run_scoped3A_218 : memref<!tpu.dma_semaphore, #tpu.memory_space<semaphore_mem>>)
      %dma_wait3A_231 = arith.constant 0 : i32
      %dma_wait3A_232 = arith.constant 0 : i32
      %dma_wait3A_233 = tpu.memref_slice %arg6[%run_scoped3A, %dma_wait3A_231, %dma_wait3A_232] : memref<2x128x128xf32, #tpu.memory_space<vmem>> -> memref<1x128x128xf32, #tpu.memory_space<vmem>>
      %dma_wait3A_234 = tpu.memref_squeeze %dma_wait3A_233 : memref<1x128x128xf32, #tpu.memory_space<vmem>> -> memref<128x128xf32, #tpu.memory_space<vmem>>
      %dma_wait3A_235 = arith.constant 0 : i32
      %dma_wait3A_236 = tpu.memref_slice %arg4[%add3A_40, %dma_wait3A_235] : memref<32768x128xf32, #tpu.memory_space<hbm>> -> memref<128x128xf32, #tpu.memory_space<hbm>>
      %dma_wait3A_237 = arith.constant 0 : i32
      %dma_wait3A_238 = tpu.memref_slice %arg4[%add3A_40, %dma_wait3A_237] : memref<32768x128xf32, #tpu.memory_space<hbm>> -> memref<128x128xf32, #tpu.memory_space<hbm>>
      %dma_wait3A_239 = arith.constant 0 : i32
      %dma_wait3A_240 = arith.constant 0 : i32
      %dma_wait3A_241 = tpu.memref_slice %arg6[%run_scoped3A, %dma_wait3A_239, %dma_wait3A_240] : memref<2x128x128xf32, #tpu.memory_space<vmem>> -> memref<1x128x128xf32, #tpu.memory_space<vmem>>
      %dma_wait3A_242 = tpu.memref_squeeze %dma_wait3A_241 : memref<1x128x128xf32, #tpu.memory_space<vmem>> -> memref<128x128xf32, #tpu.memory_space<vmem>>
      tpu.wait_dma2 semaphore(%run_scoped3A_218 : memref<!tpu.dma_semaphore, #tpu.memory_space<semaphore_mem>>) src(%dma_wait3A_242 : memref<128x128xf32, #tpu.memory_space<vmem>>) dst(%dma_wait3A_238 : memref<128x128xf32, #tpu.memory_space<hbm>>)
      tpu.yield
    }) : () -> ()
    %dma_wait3A_41 = arith.constant 1 : i32
    %dma_wait3A_42 = arith.constant 1 : i32
    %dma_wait3A_43 = arith.constant 0 : i32
    %dma_wait3A_44 = arith.constant 0 : i32
    %dma_wait3A_45 = tpu.memref_slice %arg6[%dma_wait3A_42, %dma_wait3A_43, %dma_wait3A_44] : memref<2x128x128xf32, #tpu.memory_space<vmem>> -> memref<1x128x128xf32, #tpu.memory_space<vmem>>
    %dma_wait3A_46 = tpu.memref_squeeze %dma_wait3A_45 : memref<1x128x128xf32, #tpu.memory_space<vmem>> -> memref<128x128xf32, #tpu.memory_space<vmem>>
    %dma_wait3A_47 = arith.constant 0 : i32
    %dma_wait3A_48 = tpu.memref_slice %arg5[%dma_wait3A_41, %dma_wait3A_47] : memref<8x128xi32, #tpu.memory_space<vmem>> -> memref<1x128xi32, #tpu.memory_space<vmem>>
    %dma_wait3A_49 = tpu.memref_squeeze %dma_wait3A_48 : memref<1x128xi32, #tpu.memory_space<vmem>> -> memref<128xi32, #tpu.memory_space<vmem>>
    %dma_wait3A_50 = arith.constant 0 : i32
    %dma_wait3A_51 = arith.constant 0 : i32
    %dma_wait3A_52 = tpu.memref_slice %arg2[%dma_wait3A_50, %dma_wait3A_51] : memref<1024x128xf32, #tpu.memory_space<hbm>> -> memref<1024x128xf32, #tpu.memory_space<hbm>>
    tpu.wait_indirect_dma semaphore(%arg7 : memref<!tpu.dma_semaphore, #tpu.memory_space<semaphore_mem>>) src(%dma_wait3A_52 : memref<1024x128xf32, #tpu.memory_space<hbm>>) dst(%dma_wait3A_46 : memref<128x128xf32, #tpu.memory_space<vmem>>)
    %dma_start3A_53 = arith.constant 2 : i32
    %dma_start3A_54 = arith.constant 0 : i32
    %dma_start3A_55 = arith.constant 0 : i32
    %dma_start3A_56 = arith.constant 0 : i32
    %dma_start3A_57 = tpu.memref_slice %arg6[%dma_start3A_54, %dma_start3A_55, %dma_start3A_56] : memref<2x128x128xf32, #tpu.memory_space<vmem>> -> memref<1x128x128xf32, #tpu.memory_space<vmem>>
    %dma_start3A_58 = tpu.memref_squeeze %dma_start3A_57 : memref<1x128x128xf32, #tpu.memory_space<vmem>> -> memref<128x128xf32, #tpu.memory_space<vmem>>
    %dma_start3A_59 = arith.constant 0 : i32
    %dma_start3A_60 = tpu.memref_slice %arg5[%dma_start3A_53, %dma_start3A_59] : memref<8x128xi32, #tpu.memory_space<vmem>> -> memref<1x128xi32, #tpu.memory_space<vmem>>
    %dma_start3A_61 = tpu.memref_squeeze %dma_start3A_60 : memref<1x128xi32, #tpu.memory_space<vmem>> -> memref<128xi32, #tpu.memory_space<vmem>>
    %dma_start3A_62 = arith.constant 0 : i32
    %dma_start3A_63 = arith.constant 0 : i32
    %dma_start3A_64 = tpu.memref_slice %arg2[%dma_start3A_62, %dma_start3A_63] : memref<1024x128xf32, #tpu.memory_space<hbm>> -> memref<1024x128xf32, #tpu.memory_space<hbm>>
    tpu.enqueue_indirect_dma source(%dma_start3A_64 : memref<1024x128xf32, #tpu.memory_space<hbm>>) target(%dma_start3A_58 : memref<128x128xf32, #tpu.memory_space<vmem>>) offsets(%dma_start3A_61 : memref<128xi32, #tpu.memory_space<vmem>>) semaphore(%arg7 : memref<!tpu.dma_semaphore, #tpu.memory_space<semaphore_mem>>)
    %add3A_65 = arith.constant 128 : i32
    %add3A_66 = arith.addi %mul3A_4, %add3A_65 : i32
    %run_scoped3A_67 = arith.constant 1 : i32
    "tpu.region"() ({
      %run_scoped3A_218 = tpu.sem_alloc : memref<!tpu.dma_semaphore, #tpu.memory_space<semaphore_mem>>
      %dma_start3A_219 = arith.constant 0 : i32
      %dma_start3A_220 = arith.constant 0 : i32
      %dma_start3A_221 = tpu.memref_slice %arg6[%run_scoped3A_67, %dma_start3A_219, %dma_start3A_220] : memref<2x128x128xf32, #tpu.memory_space<vmem>> -> memref<1x128x128xf32, #tpu.memory_space<vmem>>
      %dma_start3A_222 = tpu.memref_squeeze %dma_start3A_221 : memref<1x128x128xf32, #tpu.memory_space<vmem>> -> memref<128x128xf32, #tpu.memory_space<vmem>>
      %dma_start3A_223 = arith.constant 0 : i32
      %dma_start3A_224 = tpu.memref_slice %arg4[%add3A_66, %dma_start3A_223] : memref<32768x128xf32, #tpu.memory_space<hbm>> -> memref<128x128xf32, #tpu.memory_space<hbm>>
      %dma_start3A_225 = arith.constant 0 : i32
      %dma_start3A_226 = tpu.memref_slice %arg4[%add3A_66, %dma_start3A_225] : memref<32768x128xf32, #tpu.memory_space<hbm>> -> memref<128x128xf32, #tpu.memory_space<hbm>>
      %dma_start3A_227 = arith.constant 0 : i32
      %dma_start3A_228 = arith.constant 0 : i32
      %dma_start3A_229 = tpu.memref_slice %arg6[%run_scoped3A_67, %dma_start3A_227, %dma_start3A_228] : memref<2x128x128xf32, #tpu.memory_space<vmem>> -> memref<1x128x128xf32, #tpu.memory_space<vmem>>
      %dma_start3A_230 = tpu.memref_squeeze %dma_start3A_229 : memref<1x128x128xf32, #tpu.memory_space<vmem>> -> memref<128x128xf32, #tpu.memory_space<vmem>>
      tpu.enqueue_dma source(%dma_start3A_230 : memref<128x128xf32, #tpu.memory_space<vmem>>) target(%dma_start3A_226 : memref<128x128xf32, #tpu.memory_space<hbm>>) target_semaphore(%run_scoped3A_218 : memref<!tpu.dma_semaphore, #tpu.memory_space<semaphore_mem>>)
      %dma_wait3A_231 = arith.constant 0 : i32
      %dma_wait3A_232 = arith.constant 0 : i32
      %dma_wait3A_233 = tpu.memref_slice %arg6[%run_scoped3A_67, %dma_wait3A_231, %dma_wait3A_232] : memref<2x128x128xf32, #tpu.memory_space<vmem>> -> memref<1x128x128xf32, #tpu.memory_space<vmem>>
      %dma_wait3A_234 = tpu.memref_squeeze %dma_wait3A_233 : memref<1x128x128xf32, #tpu.memory_space<vmem>> -> memref<128x128xf32, #tpu.memory_space<vmem>>
      %dma_wait3A_235 = arith.constant 0 : i32
      %dma_wait3A_236 = tpu.memref_slice %arg4[%add3A_66, %dma_wait3A_235] : memref<32768x128xf32, #tpu.memory_space<hbm>> -> memref<128x128xf32, #tpu.memory_space<hbm>>
      %dma_wait3A_237 = arith.constant 0 : i32
      %dma_wait3A_238 = tpu.memref_slice %arg4[%add3A_66, %dma_wait3A_237] : memref<32768x128xf32, #tpu.memory_space<hbm>> -> memref<128x128xf32, #tpu.memory_space<hbm>>
      %dma_wait3A_239 = arith.constant 0 : i32
      %dma_wait3A_240 = arith.constant 0 : i32
      %dma_wait3A_241 = tpu.memref_slice %arg6[%run_scoped3A_67, %dma_wait3A_239, %dma_wait3A_240] : memref<2x128x128xf32, #tpu.memory_space<vmem>> -> memref<1x128x128xf32, #tpu.memory_space<vmem>>
      %dma_wait3A_242 = tpu.memref_squeeze %dma_wait3A_241 : memref<1x128x128xf32, #tpu.memory_space<vmem>> -> memref<128x128xf32, #tpu.memory_space<vmem>>
      tpu.wait_dma2 semaphore(%run_scoped3A_218 : memref<!tpu.dma_semaphore, #tpu.memory_space<semaphore_mem>>) src(%dma_wait3A_242 : memref<128x128xf32, #tpu.memory_space<vmem>>) dst(%dma_wait3A_238 : memref<128x128xf32, #tpu.memory_space<hbm>>)
      tpu.yield
    }) : () -> ()
    %dma_wait3A_68 = arith.constant 2 : i32
    %dma_wait3A_69 = arith.constant 0 : i32
    %dma_wait3A_70 = arith.constant 0 : i32
    %dma_wait3A_71 = arith.constant 0 : i32
    %dma_wait3A_72 = tpu.memref_slice %arg6[%dma_wait3A_69, %dma_wait3A_70, %dma_wait3A_71] : memref<2x128x128xf32, #tpu.memory_space<vmem>> -> memref<1x128x128xf32, #tpu.memory_space<vmem>>
    %dma_wait3A_73 = tpu.memref_squeeze %dma_wait3A_72 : memref<1x128x128xf32, #tpu.memory_space<vmem>> -> memref<128x128xf32, #tpu.memory_space<vmem>>
    %dma_wait3A_74 = arith.constant 0 : i32
    %dma_wait3A_75 = tpu.memref_slice %arg5[%dma_wait3A_68, %dma_wait3A_74] : memref<8x128xi32, #tpu.memory_space<vmem>> -> memref<1x128xi32, #tpu.memory_space<vmem>>
    %dma_wait3A_76 = tpu.memref_squeeze %dma_wait3A_75 : memref<1x128xi32, #tpu.memory_space<vmem>> -> memref<128xi32, #tpu.memory_space<vmem>>
    %dma_wait3A_77 = arith.constant 0 : i32
    %dma_wait3A_78 = arith.constant 0 : i32
    %dma_wait3A_79 = tpu.memref_slice %arg2[%dma_wait3A_77, %dma_wait3A_78] : memref<1024x128xf32, #tpu.memory_space<hbm>> -> memref<1024x128xf32, #tpu.memory_space<hbm>>
    tpu.wait_indirect_dma semaphore(%arg7 : memref<!tpu.dma_semaphore, #tpu.memory_space<semaphore_mem>>) src(%dma_wait3A_79 : memref<1024x128xf32, #tpu.memory_space<hbm>>) dst(%dma_wait3A_73 : memref<128x128xf32, #tpu.memory_space<vmem>>)
    %dma_start3A_80 = arith.constant 3 : i32
    %dma_start3A_81 = arith.constant 1 : i32
    %dma_start3A_82 = arith.constant 0 : i32
    %dma_start3A_83 = arith.constant 0 : i32
    %dma_start3A_84 = tpu.memref_slice %arg6[%dma_start3A_81, %dma_start3A_82, %dma_start3A_83] : memref<2x128x128xf32, #tpu.memory_space<vmem>> -> memref<1x128x128xf32, #tpu.memory_space<vmem>>
    %dma_start3A_85 = tpu.memref_squeeze %dma_start3A_84 : memref<1x128x128xf32, #tpu.memory_space<vmem>> -> memref<128x128xf32, #tpu.memory_space<vmem>>
    %dma_start3A_86 = arith.constant 0 : i32
    %dma_start3A_87 = tpu.memref_slice %arg5[%dma_start3A_80, %dma_start3A_86] : memref<8x128xi32, #tpu.memory_space<vmem>> -> memref<1x128xi32, #tpu.memory_space<vmem>>
    %dma_start3A_88 = tpu.memref_squeeze %dma_start3A_87 : memref<1x128xi32, #tpu.memory_space<vmem>> -> memref<128xi32, #tpu.memory_space<vmem>>
    %dma_start3A_89 = arith.constant 0 : i32
    %dma_start3A_90 = arith.constant 0 : i32
    %dma_start3A_91 = tpu.memref_slice %arg2[%dma_start3A_89, %dma_start3A_90] : memref<1024x128xf32, #tpu.memory_space<hbm>> -> memref<1024x128xf32, #tpu.memory_space<hbm>>
    tpu.enqueue_indirect_dma source(%dma_start3A_91 : memref<1024x128xf32, #tpu.memory_space<hbm>>) target(%dma_start3A_85 : memref<128x128xf32, #tpu.memory_space<vmem>>) offsets(%dma_start3A_88 : memref<128xi32, #tpu.memory_space<vmem>>) semaphore(%arg7 : memref<!tpu.dma_semaphore, #tpu.memory_space<semaphore_mem>>)
    %add3A_92 = arith.constant 256 : i32
    %add3A_93 = arith.addi %mul3A_4, %add3A_92 : i32
    %run_scoped3A_94 = arith.constant 0 : i32
    "tpu.region"() ({
      %run_scoped3A_218 = tpu.sem_alloc : memref<!tpu.dma_semaphore, #tpu.memory_space<semaphore_mem>>
      %dma_start3A_219 = arith.constant 0 : i32
      %dma_start3A_220 = arith.constant 0 : i32
      %dma_start3A_221 = tpu.memref_slice %arg6[%run_scoped3A_94, %dma_start3A_219, %dma_start3A_220] : memref<2x128x128xf32, #tpu.memory_space<vmem>> -> memref<1x128x128xf32, #tpu.memory_space<vmem>>
      %dma_start3A_222 = tpu.memref_squeeze %dma_start3A_221 : memref<1x128x128xf32, #tpu.memory_space<vmem>> -> memref<128x128xf32, #tpu.memory_space<vmem>>
      %dma_start3A_223 = arith.constant 0 : i32
      %dma_start3A_224 = tpu.memref_slice %arg4[%add3A_93, %dma_start3A_223] : memref<32768x128xf32, #tpu.memory_space<hbm>> -> memref<128x128xf32, #tpu.memory_space<hbm>>
      %dma_start3A_225 = arith.constant 0 : i32
      %dma_start3A_226 = tpu.memref_slice %arg4[%add3A_93, %dma_start3A_225] : memref<32768x128xf32, #tpu.memory_space<hbm>> -> memref<128x128xf32, #tpu.memory_space<hbm>>
      %dma_start3A_227 = arith.constant 0 : i32
      %dma_start3A_228 = arith.constant 0 : i32
      %dma_start3A_229 = tpu.memref_slice %arg6[%run_scoped3A_94, %dma_start3A_227, %dma_start3A_228] : memref<2x128x128xf32, #tpu.memory_space<vmem>> -> memref<1x128x128xf32, #tpu.memory_space<vmem>>
      %dma_start3A_230 = tpu.memref_squeeze %dma_start3A_229 : memref<1x128x128xf32, #tpu.memory_space<vmem>> -> memref<128x128xf32, #tpu.memory_space<vmem>>
      tpu.enqueue_dma source(%dma_start3A_230 : memref<128x128xf32, #tpu.memory_space<vmem>>) target(%dma_start3A_226 : memref<128x128xf32, #tpu.memory_space<hbm>>) target_semaphore(%run_scoped3A_218 : memref<!tpu.dma_semaphore, #tpu.memory_space<semaphore_mem>>)
      %dma_wait3A_231 = arith.constant 0 : i32
      %dma_wait3A_232 = arith.constant 0 : i32
      %dma_wait3A_233 = tpu.memref_slice %arg6[%run_scoped3A_94, %dma_wait3A_231, %dma_wait3A_232] : memref<2x128x128xf32, #tpu.memory_space<vmem>> -> memref<1x128x128xf32, #tpu.memory_space<vmem>>
      %dma_wait3A_234 = tpu.memref_squeeze %dma_wait3A_233 : memref<1x128x128xf32, #tpu.memory_space<vmem>> -> memref<128x128xf32, #tpu.memory_space<vmem>>
      %dma_wait3A_235 = arith.constant 0 : i32
      %dma_wait3A_236 = tpu.memref_slice %arg4[%add3A_93, %dma_wait3A_235] : memref<32768x128xf32, #tpu.memory_space<hbm>> -> memref<128x128xf32, #tpu.memory_space<hbm>>
      %dma_wait3A_237 = arith.constant 0 : i32
      %dma_wait3A_238 = tpu.memref_slice %arg4[%add3A_93, %dma_wait3A_237] : memref<32768x128xf32, #tpu.memory_space<hbm>> -> memref<128x128xf32, #tpu.memory_space<hbm>>
      %dma_wait3A_239 = arith.constant 0 : i32
      %dma_wait3A_240 = arith.constant 0 : i32
      %dma_wait3A_241 = tpu.memref_slice %arg6[%run_scoped3A_94, %dma_wait3A_239, %dma_wait3A_240] : memref<2x128x128xf32, #tpu.memory_space<vmem>> -> memref<1x128x128xf32, #tpu.memory_space<vmem>>
      %dma_wait3A_242 = tpu.memref_squeeze %dma_wait3A_241 : memref<1x128x128xf32, #tpu.memory_space<vmem>> -> memref<128x128xf32, #tpu.memory_space<vmem>>
      tpu.wait_dma2 semaphore(%run_scoped3A_218 : memref<!tpu.dma_semaphore, #tpu.memory_space<semaphore_mem>>) src(%dma_wait3A_242 : memref<128x128xf32, #tpu.memory_space<vmem>>) dst(%dma_wait3A_238 : memref<128x128xf32, #tpu.memory_space<hbm>>)
      tpu.yield
    }) : () -> ()
    %dma_wait3A_95 = arith.constant 3 : i32
    %dma_wait3A_96 = arith.constant 1 : i32
    %dma_wait3A_97 = arith.constant 0 : i32
    %dma_wait3A_98 = arith.constant 0 : i32
    %dma_wait3A_99 = tpu.memref_slice %arg6[%dma_wait3A_96, %dma_wait3A_97, %dma_wait3A_98] : memref<2x128x128xf32, #tpu.memory_space<vmem>> -> memref<1x128x128xf32, #tpu.memory_space<vmem>>
    %dma_wait3A_100 = tpu.memref_squeeze %dma_wait3A_99 : memref<1x128x128xf32, #tpu.memory_space<vmem>> -> memref<128x128xf32, #tpu.memory_space<vmem>>
    %dma_wait3A_101 = arith.constant 0 : i32
    %dma_wait3A_102 = tpu.memref_slice %arg5[%dma_wait3A_95, %dma_wait3A_101] : memref<8x128xi32, #tpu.memory_space<vmem>> -> memref<1x128xi32, #tpu.memory_space<vmem>>
    %dma_wait3A_103 = tpu.memref_squeeze %dma_wait3A_102 : memref<1x128xi32, #tpu.memory_space<vmem>> -> memref<128xi32, #tpu.memory_space<vmem>>
    %dma_wait3A_104 = arith.constant 0 : i32
    %dma_wait3A_105 = arith.constant 0 : i32
    %dma_wait3A_106 = tpu.memref_slice %arg2[%dma_wait3A_104, %dma_wait3A_105] : memref<1024x128xf32, #tpu.memory_space<hbm>> -> memref<1024x128xf32, #tpu.memory_space<hbm>>
    tpu.wait_indirect_dma semaphore(%arg7 : memref<!tpu.dma_semaphore, #tpu.memory_space<semaphore_mem>>) src(%dma_wait3A_106 : memref<1024x128xf32, #tpu.memory_space<hbm>>) dst(%dma_wait3A_100 : memref<128x128xf32, #tpu.memory_space<vmem>>)
    %dma_start3A_107 = arith.constant 4 : i32
    %dma_start3A_108 = arith.constant 0 : i32
    %dma_start3A_109 = arith.constant 0 : i32
    %dma_start3A_110 = arith.constant 0 : i32
    %dma_start3A_111 = tpu.memref_slice %arg6[%dma_start3A_108, %dma_start3A_109, %dma_start3A_110] : memref<2x128x128xf32, #tpu.memory_space<vmem>> -> memref<1x128x128xf32, #tpu.memory_space<vmem>>
    %dma_start3A_112 = tpu.memref_squeeze %dma_start3A_111 : memref<1x128x128xf32, #tpu.memory_space<vmem>> -> memref<128x128xf32, #tpu.memory_space<vmem>>
    %dma_start3A_113 = arith.constant 0 : i32
    %dma_start3A_114 = tpu.memref_slice %arg5[%dma_start3A_107, %dma_start3A_113] : memref<8x128xi32, #tpu.memory_space<vmem>> -> memref<1x128xi32, #tpu.memory_space<vmem>>
    %dma_start3A_115 = tpu.memref_squeeze %dma_start3A_114 : memref<1x128xi32, #tpu.memory_space<vmem>> -> memref<128xi32, #tpu.memory_space<vmem>>
    %dma_start3A_116 = arith.constant 0 : i32
    %dma_start3A_117 = arith.constant 0 : i32
    %dma_start3A_118 = tpu.memref_slice %arg2[%dma_start3A_116, %dma_start3A_117] : memref<1024x128xf32, #tpu.memory_space<hbm>> -> memref<1024x128xf32, #tpu.memory_space<hbm>>
    tpu.enqueue_indirect_dma source(%dma_start3A_118 : memref<1024x128xf32, #tpu.memory_space<hbm>>) target(%dma_start3A_112 : memref<128x128xf32, #tpu.memory_space<vmem>>) offsets(%dma_start3A_115 : memref<128xi32, #tpu.memory_space<vmem>>) semaphore(%arg7 : memref<!tpu.dma_semaphore, #tpu.memory_space<semaphore_mem>>)
    %add3A_119 = arith.constant 384 : i32
    %add3A_120 = arith.addi %mul3A_4, %add3A_119 : i32
    %run_scoped3A_121 = arith.constant 1 : i32
    "tpu.region"() ({
      %run_scoped3A_218 = tpu.sem_alloc : memref<!tpu.dma_semaphore, #tpu.memory_space<semaphore_mem>>
      %dma_start3A_219 = arith.constant 0 : i32
      %dma_start3A_220 = arith.constant 0 : i32
      %dma_start3A_221 = tpu.memref_slice %arg6[%run_scoped3A_121, %dma_start3A_219, %dma_start3A_220] : memref<2x128x128xf32, #tpu.memory_space<vmem>> -> memref<1x128x128xf32, #tpu.memory_space<vmem>>
      %dma_start3A_222 = tpu.memref_squeeze %dma_start3A_221 : memref<1x128x128xf32, #tpu.memory_space<vmem>> -> memref<128x128xf32, #tpu.memory_space<vmem>>
      %dma_start3A_223 = arith.constant 0 : i32
      %dma_start3A_224 = tpu.memref_slice %arg4[%add3A_120, %dma_start3A_223] : memref<32768x128xf32, #tpu.memory_space<hbm>> -> memref<128x128xf32, #tpu.memory_space<hbm>>
      %dma_start3A_225 = arith.constant 0 : i32
      %dma_start3A_226 = tpu.memref_slice %arg4[%add3A_120, %dma_start3A_225] : memref<32768x128xf32, #tpu.memory_space<hbm>> -> memref<128x128xf32, #tpu.memory_space<hbm>>
      %dma_start3A_227 = arith.constant 0 : i32
      %dma_start3A_228 = arith.constant 0 : i32
      %dma_start3A_229 = tpu.memref_slice %arg6[%run_scoped3A_121, %dma_start3A_227, %dma_start3A_228] : memref<2x128x128xf32, #tpu.memory_space<vmem>> -> memref<1x128x128xf32, #tpu.memory_space<vmem>>
      %dma_start3A_230 = tpu.memref_squeeze %dma_start3A_229 : memref<1x128x128xf32, #tpu.memory_space<vmem>> -> memref<128x128xf32, #tpu.memory_space<vmem>>
      tpu.enqueue_dma source(%dma_start3A_230 : memref<128x128xf32, #tpu.memory_space<vmem>>) target(%dma_start3A_226 : memref<128x128xf32, #tpu.memory_space<hbm>>) target_semaphore(%run_scoped3A_218 : memref<!tpu.dma_semaphore, #tpu.memory_space<semaphore_mem>>)
      %dma_wait3A_231 = arith.constant 0 : i32
      %dma_wait3A_232 = arith.constant 0 : i32
      %dma_wait3A_233 = tpu.memref_slice %arg6[%run_scoped3A_121, %dma_wait3A_231, %dma_wait3A_232] : memref<2x128x128xf32, #tpu.memory_space<vmem>> -> memref<1x128x128xf32, #tpu.memory_space<vmem>>
      %dma_wait3A_234 = tpu.memref_squeeze %dma_wait3A_233 : memref<1x128x128xf32, #tpu.memory_space<vmem>> -> memref<128x128xf32, #tpu.memory_space<vmem>>
      %dma_wait3A_235 = arith.constant 0 : i32
      %dma_wait3A_236 = tpu.memref_slice %arg4[%add3A_120, %dma_wait3A_235] : memref<32768x128xf32, #tpu.memory_space<hbm>> -> memref<128x128xf32, #tpu.memory_space<hbm>>
      %dma_wait3A_237 = arith.constant 0 : i32
      %dma_wait3A_238 = tpu.memref_slice %arg4[%add3A_120, %dma_wait3A_237] : memref<32768x128xf32, #tpu.memory_space<hbm>> -> memref<128x128xf32, #tpu.memory_space<hbm>>
      %dma_wait3A_239 = arith.constant 0 : i32
      %dma_wait3A_240 = arith.constant 0 : i32
      %dma_wait3A_241 = tpu.memref_slice %arg6[%run_scoped3A_121, %dma_wait3A_239, %dma_wait3A_240] : memref<2x128x128xf32, #tpu.memory_space<vmem>> -> memref<1x128x128xf32, #tpu.memory_space<vmem>>
      %dma_wait3A_242 = tpu.memref_squeeze %dma_wait3A_241 : memref<1x128x128xf32, #tpu.memory_space<vmem>> -> memref<128x128xf32, #tpu.memory_space<vmem>>
      tpu.wait_dma2 semaphore(%run_scoped3A_218 : memref<!tpu.dma_semaphore, #tpu.memory_space<semaphore_mem>>) src(%dma_wait3A_242 : memref<128x128xf32, #tpu.memory_space<vmem>>) dst(%dma_wait3A_238 : memref<128x128xf32, #tpu.memory_space<hbm>>)
      tpu.yield
    }) : () -> ()
    %dma_wait3A_122 = arith.constant 4 : i32
    %dma_wait3A_123 = arith.constant 0 : i32
    %dma_wait3A_124 = arith.constant 0 : i32
    %dma_wait3A_125 = arith.constant 0 : i32
    %dma_wait3A_126 = tpu.memref_slice %arg6[%dma_wait3A_123, %dma_wait3A_124, %dma_wait3A_125] : memref<2x128x128xf32, #tpu.memory_space<vmem>> -> memref<1x128x128xf32, #tpu.memory_space<vmem>>
    %dma_wait3A_127 = tpu.memref_squeeze %dma_wait3A_126 : memref<1x128x128xf32, #tpu.memory_space<vmem>> -> memref<128x128xf32, #tpu.memory_space<vmem>>
    %dma_wait3A_128 = arith.constant 0 : i32
    %dma_wait3A_129 = tpu.memref_slice %arg5[%dma_wait3A_122, %dma_wait3A_128] : memref<8x128xi32, #tpu.memory_space<vmem>> -> memref<1x128xi32, #tpu.memory_space<vmem>>
    %dma_wait3A_130 = tpu.memref_squeeze %dma_wait3A_129 : memref<1x128xi32, #tpu.memory_space<vmem>> -> memref<128xi32, #tpu.memory_space<vmem>>
    %dma_wait3A_131 = arith.constant 0 : i32
    %dma_wait3A_132 = arith.constant 0 : i32
    %dma_wait3A_133 = tpu.memref_slice %arg2[%dma_wait3A_131, %dma_wait3A_132] : memref<1024x128xf32, #tpu.memory_space<hbm>> -> memref<1024x128xf32, #tpu.memory_space<hbm>>
    tpu.wait_indirect_dma semaphore(%arg7 : memref<!tpu.dma_semaphore, #tpu.memory_space<semaphore_mem>>) src(%dma_wait3A_133 : memref<1024x128xf32, #tpu.memory_space<hbm>>) dst(%dma_wait3A_127 : memref<128x128xf32, #tpu.memory_space<vmem>>)
    %dma_start3A_134 = arith.constant 5 : i32
    %dma_start3A_135 = arith.constant 1 : i32
    %dma_start3A_136 = arith.constant 0 : i32
    %dma_start3A_137 = arith.constant 0 : i32
    %dma_start3A_138 = tpu.memref_slice %arg6[%dma_start3A_135, %dma_start3A_136, %dma_start3A_137] : memref<2x128x128xf32, #tpu.memory_space<vmem>> -> memref<1x128x128xf32, #tpu.memory_space<vmem>>
    %dma_start3A_139 = tpu.memref_squeeze %dma_start3A_138 : memref<1x128x128xf32, #tpu.memory_space<vmem>> -> memref<128x128xf32, #tpu.memory_space<vmem>>
    %dma_start3A_140 = arith.constant 0 : i32
    %dma_start3A_141 = tpu.memref_slice %arg5[%dma_start3A_134, %dma_start3A_140] : memref<8x128xi32, #tpu.memory_space<vmem>> -> memref<1x128xi32, #tpu.memory_space<vmem>>
    %dma_start3A_142 = tpu.memref_squeeze %dma_start3A_141 : memref<1x128xi32, #tpu.memory_space<vmem>> -> memref<128xi32, #tpu.memory_space<vmem>>
    %dma_start3A_143 = arith.constant 0 : i32
    %dma_start3A_144 = arith.constant 0 : i32
    %dma_start3A_145 = tpu.memref_slice %arg2[%dma_start3A_143, %dma_start3A_144] : memref<1024x128xf32, #tpu.memory_space<hbm>> -> memref<1024x128xf32, #tpu.memory_space<hbm>>
    tpu.enqueue_indirect_dma source(%dma_start3A_145 : memref<1024x128xf32, #tpu.memory_space<hbm>>) target(%dma_start3A_139 : memref<128x128xf32, #tpu.memory_space<vmem>>) offsets(%dma_start3A_142 : memref<128xi32, #tpu.memory_space<vmem>>) semaphore(%arg7 : memref<!tpu.dma_semaphore, #tpu.memory_space<semaphore_mem>>)
    %add3A_146 = arith.constant 512 : i32
    %add3A_147 = arith.addi %mul3A_4, %add3A_146 : i32
    %run_scoped3A_148 = arith.constant 0 : i32
    "tpu.region"() ({
      %run_scoped3A_218 = tpu.sem_alloc : memref<!tpu.dma_semaphore, #tpu.memory_space<semaphore_mem>>
      %dma_start3A_219 = arith.constant 0 : i32
      %dma_start3A_220 = arith.constant 0 : i32
      %dma_start3A_221 = tpu.memref_slice %arg6[%run_scoped3A_148, %dma_start3A_219, %dma_start3A_220] : memref<2x128x128xf32, #tpu.memory_space<vmem>> -> memref<1x128x128xf32, #tpu.memory_space<vmem>>
      %dma_start3A_222 = tpu.memref_squeeze %dma_start3A_221 : memref<1x128x128xf32, #tpu.memory_space<vmem>> -> memref<128x128xf32, #tpu.memory_space<vmem>>
      %dma_start3A_223 = arith.constant 0 : i32
      %dma_start3A_224 = tpu.memref_slice %arg4[%add3A_147, %dma_start3A_223] : memref<32768x128xf32, #tpu.memory_space<hbm>> -> memref<128x128xf32, #tpu.memory_space<hbm>>
      %dma_start3A_225 = arith.constant 0 : i32
      %dma_start3A_226 = tpu.memref_slice %arg4[%add3A_147, %dma_start3A_225] : memref<32768x128xf32, #tpu.memory_space<hbm>> -> memref<128x128xf32, #tpu.memory_space<hbm>>
      %dma_start3A_227 = arith.constant 0 : i32
      %dma_start3A_228 = arith.constant 0 : i32
      %dma_start3A_229 = tpu.memref_slice %arg6[%run_scoped3A_148, %dma_start3A_227, %dma_start3A_228] : memref<2x128x128xf32, #tpu.memory_space<vmem>> -> memref<1x128x128xf32, #tpu.memory_space<vmem>>
      %dma_start3A_230 = tpu.memref_squeeze %dma_start3A_229 : memref<1x128x128xf32, #tpu.memory_space<vmem>> -> memref<128x128xf32, #tpu.memory_space<vmem>>
      tpu.enqueue_dma source(%dma_start3A_230 : memref<128x128xf32, #tpu.memory_space<vmem>>) target(%dma_start3A_226 : memref<128x128xf32, #tpu.memory_space<hbm>>) target_semaphore(%run_scoped3A_218 : memref<!tpu.dma_semaphore, #tpu.memory_space<semaphore_mem>>)
      %dma_wait3A_231 = arith.constant 0 : i32
      %dma_wait3A_232 = arith.constant 0 : i32
      %dma_wait3A_233 = tpu.memref_slice %arg6[%run_scoped3A_148, %dma_wait3A_231, %dma_wait3A_232] : memref<2x128x128xf32, #tpu.memory_space<vmem>> -> memref<1x128x128xf32, #tpu.memory_space<vmem>>
      %dma_wait3A_234 = tpu.memref_squeeze %dma_wait3A_233 : memref<1x128x128xf32, #tpu.memory_space<vmem>> -> memref<128x128xf32, #tpu.memory_space<vmem>>
      %dma_wait3A_235 = arith.constant 0 : i32
      %dma_wait3A_236 = tpu.memref_slice %arg4[%add3A_147, %dma_wait3A_235] : memref<32768x128xf32, #tpu.memory_space<hbm>> -> memref<128x128xf32, #tpu.memory_space<hbm>>
      %dma_wait3A_237 = arith.constant 0 : i32
      %dma_wait3A_238 = tpu.memref_slice %arg4[%add3A_147, %dma_wait3A_237] : memref<32768x128xf32, #tpu.memory_space<hbm>> -> memref<128x128xf32, #tpu.memory_space<hbm>>
      %dma_wait3A_239 = arith.constant 0 : i32
      %dma_wait3A_240 = arith.constant 0 : i32
      %dma_wait3A_241 = tpu.memref_slice %arg6[%run_scoped3A_148, %dma_wait3A_239, %dma_wait3A_240] : memref<2x128x128xf32, #tpu.memory_space<vmem>> -> memref<1x128x128xf32, #tpu.memory_space<vmem>>
      %dma_wait3A_242 = tpu.memref_squeeze %dma_wait3A_241 : memref<1x128x128xf32, #tpu.memory_space<vmem>> -> memref<128x128xf32, #tpu.memory_space<vmem>>
      tpu.wait_dma2 semaphore(%run_scoped3A_218 : memref<!tpu.dma_semaphore, #tpu.memory_space<semaphore_mem>>) src(%dma_wait3A_242 : memref<128x128xf32, #tpu.memory_space<vmem>>) dst(%dma_wait3A_238 : memref<128x128xf32, #tpu.memory_space<hbm>>)
      tpu.yield
    }) : () -> ()
    %dma_wait3A_149 = arith.constant 5 : i32
    %dma_wait3A_150 = arith.constant 1 : i32
    %dma_wait3A_151 = arith.constant 0 : i32
    %dma_wait3A_152 = arith.constant 0 : i32
    %dma_wait3A_153 = tpu.memref_slice %arg6[%dma_wait3A_150, %dma_wait3A_151, %dma_wait3A_152] : memref<2x128x128xf32, #tpu.memory_space<vmem>> -> memref<1x128x128xf32, #tpu.memory_space<vmem>>
    %dma_wait3A_154 = tpu.memref_squeeze %dma_wait3A_153 : memref<1x128x128xf32, #tpu.memory_space<vmem>> -> memref<128x128xf32, #tpu.memory_space<vmem>>
    %dma_wait3A_155 = arith.constant 0 : i32
    %dma_wait3A_156 = tpu.memref_slice %arg5[%dma_wait3A_149, %dma_wait3A_155] : memref<8x128xi32, #tpu.memory_space<vmem>> -> memref<1x128xi32, #tpu.memory_space<vmem>>
    %dma_wait3A_157 = tpu.memref_squeeze %dma_wait3A_156 : memref<1x128xi32, #tpu.memory_space<vmem>> -> memref<128xi32, #tpu.memory_space<vmem>>
    %dma_wait3A_158 = arith.constant 0 : i32
    %dma_wait3A_159 = arith.constant 0 : i32
    %dma_wait3A_160 = tpu.memref_slice %arg2[%dma_wait3A_158, %dma_wait3A_159] : memref<1024x128xf32, #tpu.memory_space<hbm>> -> memref<1024x128xf32, #tpu.memory_space<hbm>>
    tpu.wait_indirect_dma semaphore(%arg7 : memref<!tpu.dma_semaphore, #tpu.memory_space<semaphore_mem>>) src(%dma_wait3A_160 : memref<1024x128xf32, #tpu.memory_space<hbm>>) dst(%dma_wait3A_154 : memref<128x128xf32, #tpu.memory_space<vmem>>)
    %dma_start3A_161 = arith.constant 6 : i32
    %dma_start3A_162 = arith.constant 0 : i32
    %dma_start3A_163 = arith.constant 0 : i32
    %dma_start3A_164 = arith.constant 0 : i32
    %dma_start3A_165 = tpu.memref_slice %arg6[%dma_start3A_162, %dma_start3A_163, %dma_start3A_164] : memref<2x128x128xf32, #tpu.memory_space<vmem>> -> memref<1x128x128xf32, #tpu.memory_space<vmem>>
    %dma_start3A_166 = tpu.memref_squeeze %dma_start3A_165 : memref<1x128x128xf32, #tpu.memory_space<vmem>> -> memref<128x128xf32, #tpu.memory_space<vmem>>
    %dma_start3A_167 = arith.constant 0 : i32
    %dma_start3A_168 = tpu.memref_slice %arg5[%dma_start3A_161, %dma_start3A_167] : memref<8x128xi32, #tpu.memory_space<vmem>> -> memref<1x128xi32, #tpu.memory_space<vmem>>
    %dma_start3A_169 = tpu.memref_squeeze %dma_start3A_168 : memref<1x128xi32, #tpu.memory_space<vmem>> -> memref<128xi32, #tpu.memory_space<vmem>>
    %dma_start3A_170 = arith.constant 0 : i32
    %dma_start3A_171 = arith.constant 0 : i32
    %dma_start3A_172 = tpu.memref_slice %arg2[%dma_start3A_170, %dma_start3A_171] : memref<1024x128xf32, #tpu.memory_space<hbm>> -> memref<1024x128xf32, #tpu.memory_space<hbm>>
    tpu.enqueue_indirect_dma source(%dma_start3A_172 : memref<1024x128xf32, #tpu.memory_space<hbm>>) target(%dma_start3A_166 : memref<128x128xf32, #tpu.memory_space<vmem>>) offsets(%dma_start3A_169 : memref<128xi32, #tpu.memory_space<vmem>>) semaphore(%arg7 : memref<!tpu.dma_semaphore, #tpu.memory_space<semaphore_mem>>)
    %add3A_173 = arith.constant 640 : i32
    %add3A_174 = arith.addi %mul3A_4, %add3A_173 : i32
    %run_scoped3A_175 = arith.constant 1 : i32
    "tpu.region"() ({
      %run_scoped3A_218 = tpu.sem_alloc : memref<!tpu.dma_semaphore, #tpu.memory_space<semaphore_mem>>
      %dma_start3A_219 = arith.constant 0 : i32
      %dma_start3A_220 = arith.constant 0 : i32
      %dma_start3A_221 = tpu.memref_slice %arg6[%run_scoped3A_175, %dma_start3A_219, %dma_start3A_220] : memref<2x128x128xf32, #tpu.memory_space<vmem>> -> memref<1x128x128xf32, #tpu.memory_space<vmem>>
      %dma_start3A_222 = tpu.memref_squeeze %dma_start3A_221 : memref<1x128x128xf32, #tpu.memory_space<vmem>> -> memref<128x128xf32, #tpu.memory_space<vmem>>
      %dma_start3A_223 = arith.constant 0 : i32
      %dma_start3A_224 = tpu.memref_slice %arg4[%add3A_174, %dma_start3A_223] : memref<32768x128xf32, #tpu.memory_space<hbm>> -> memref<128x128xf32, #tpu.memory_space<hbm>>
      %dma_start3A_225 = arith.constant 0 : i32
      %dma_start3A_226 = tpu.memref_slice %arg4[%add3A_174, %dma_start3A_225] : memref<32768x128xf32, #tpu.memory_space<hbm>> -> memref<128x128xf32, #tpu.memory_space<hbm>>
      %dma_start3A_227 = arith.constant 0 : i32
      %dma_start3A_228 = arith.constant 0 : i32
      %dma_start3A_229 = tpu.memref_slice %arg6[%run_scoped3A_175, %dma_start3A_227, %dma_start3A_228] : memref<2x128x128xf32, #tpu.memory_space<vmem>> -> memref<1x128x128xf32, #tpu.memory_space<vmem>>
      %dma_start3A_230 = tpu.memref_squeeze %dma_start3A_229 : memref<1x128x128xf32, #tpu.memory_space<vmem>> -> memref<128x128xf32, #tpu.memory_space<vmem>>
      tpu.enqueue_dma source(%dma_start3A_230 : memref<128x128xf32, #tpu.memory_space<vmem>>) target(%dma_start3A_226 : memref<128x128xf32, #tpu.memory_space<hbm>>) target_semaphore(%run_scoped3A_218 : memref<!tpu.dma_semaphore, #tpu.memory_space<semaphore_mem>>)
      %dma_wait3A_231 = arith.constant 0 : i32
      %dma_wait3A_232 = arith.constant 0 : i32
      %dma_wait3A_233 = tpu.memref_slice %arg6[%run_scoped3A_175, %dma_wait3A_231, %dma_wait3A_232] : memref<2x128x128xf32, #tpu.memory_space<vmem>> -> memref<1x128x128xf32, #tpu.memory_space<vmem>>
      %dma_wait3A_234 = tpu.memref_squeeze %dma_wait3A_233 : memref<1x128x128xf32, #tpu.memory_space<vmem>> -> memref<128x128xf32, #tpu.memory_space<vmem>>
      %dma_wait3A_235 = arith.constant 0 : i32
      %dma_wait3A_236 = tpu.memref_slice %arg4[%add3A_174, %dma_wait3A_235] : memref<32768x128xf32, #tpu.memory_space<hbm>> -> memref<128x128xf32, #tpu.memory_space<hbm>>
      %dma_wait3A_237 = arith.constant 0 : i32
      %dma_wait3A_238 = tpu.memref_slice %arg4[%add3A_174, %dma_wait3A_237] : memref<32768x128xf32, #tpu.memory_space<hbm>> -> memref<128x128xf32, #tpu.memory_space<hbm>>
      %dma_wait3A_239 = arith.constant 0 : i32
      %dma_wait3A_240 = arith.constant 0 : i32
      %dma_wait3A_241 = tpu.memref_slice %arg6[%run_scoped3A_175, %dma_wait3A_239, %dma_wait3A_240] : memref<2x128x128xf32, #tpu.memory_space<vmem>> -> memref<1x128x128xf32, #tpu.memory_space<vmem>>
      %dma_wait3A_242 = tpu.memref_squeeze %dma_wait3A_241 : memref<1x128x128xf32, #tpu.memory_space<vmem>> -> memref<128x128xf32, #tpu.memory_space<vmem>>
      tpu.wait_dma2 semaphore(%run_scoped3A_218 : memref<!tpu.dma_semaphore, #tpu.memory_space<semaphore_mem>>) src(%dma_wait3A_242 : memref<128x128xf32, #tpu.memory_space<vmem>>) dst(%dma_wait3A_238 : memref<128x128xf32, #tpu.memory_space<hbm>>)
      tpu.yield
    }) : () -> ()
    %dma_wait3A_176 = arith.constant 6 : i32
    %dma_wait3A_177 = arith.constant 0 : i32
    %dma_wait3A_178 = arith.constant 0 : i32
    %dma_wait3A_179 = arith.constant 0 : i32
    %dma_wait3A_180 = tpu.memref_slice %arg6[%dma_wait3A_177, %dma_wait3A_178, %dma_wait3A_179] : memref<2x128x128xf32, #tpu.memory_space<vmem>> -> memref<1x128x128xf32, #tpu.memory_space<vmem>>
    %dma_wait3A_181 = tpu.memref_squeeze %dma_wait3A_180 : memref<1x128x128xf32, #tpu.memory_space<vmem>> -> memref<128x128xf32, #tpu.memory_space<vmem>>
    %dma_wait3A_182 = arith.constant 0 : i32
    %dma_wait3A_183 = tpu.memref_slice %arg5[%dma_wait3A_176, %dma_wait3A_182] : memref<8x128xi32, #tpu.memory_space<vmem>> -> memref<1x128xi32, #tpu.memory_space<vmem>>
    %dma_wait3A_184 = tpu.memref_squeeze %dma_wait3A_183 : memref<1x128xi32, #tpu.memory_space<vmem>> -> memref<128xi32, #tpu.memory_space<vmem>>
    %dma_wait3A_185 = arith.constant 0 : i32
    %dma_wait3A_186 = arith.constant 0 : i32
    %dma_wait3A_187 = tpu.memref_slice %arg2[%dma_wait3A_185, %dma_wait3A_186] : memref<1024x128xf32, #tpu.memory_space<hbm>> -> memref<1024x128xf32, #tpu.memory_space<hbm>>
    tpu.wait_indirect_dma semaphore(%arg7 : memref<!tpu.dma_semaphore, #tpu.memory_space<semaphore_mem>>) src(%dma_wait3A_187 : memref<1024x128xf32, #tpu.memory_space<hbm>>) dst(%dma_wait3A_181 : memref<128x128xf32, #tpu.memory_space<vmem>>)
    %dma_start3A_188 = arith.constant 7 : i32
    %dma_start3A_189 = arith.constant 1 : i32
    %dma_start3A_190 = arith.constant 0 : i32
    %dma_start3A_191 = arith.constant 0 : i32
    %dma_start3A_192 = tpu.memref_slice %arg6[%dma_start3A_189, %dma_start3A_190, %dma_start3A_191] : memref<2x128x128xf32, #tpu.memory_space<vmem>> -> memref<1x128x128xf32, #tpu.memory_space<vmem>>
    %dma_start3A_193 = tpu.memref_squeeze %dma_start3A_192 : memref<1x128x128xf32, #tpu.memory_space<vmem>> -> memref<128x128xf32, #tpu.memory_space<vmem>>
    %dma_start3A_194 = arith.constant 0 : i32
    %dma_start3A_195 = tpu.memref_slice %arg5[%dma_start3A_188, %dma_start3A_194] : memref<8x128xi32, #tpu.memory_space<vmem>> -> memref<1x128xi32, #tpu.memory_space<vmem>>
    %dma_start3A_196 = tpu.memref_squeeze %dma_start3A_195 : memref<1x128xi32, #tpu.memory_space<vmem>> -> memref<128xi32, #tpu.memory_space<vmem>>
    %dma_start3A_197 = arith.constant 0 : i32
    %dma_start3A_198 = arith.constant 0 : i32
    %dma_start3A_199 = tpu.memref_slice %arg2[%dma_start3A_197, %dma_start3A_198] : memref<1024x128xf32, #tpu.memory_space<hbm>> -> memref<1024x128xf32, #tpu.memory_space<hbm>>
    tpu.enqueue_indirect_dma source(%dma_start3A_199 : memref<1024x128xf32, #tpu.memory_space<hbm>>) target(%dma_start3A_193 : memref<128x128xf32, #tpu.memory_space<vmem>>) offsets(%dma_start3A_196 : memref<128xi32, #tpu.memory_space<vmem>>) semaphore(%arg7 : memref<!tpu.dma_semaphore, #tpu.memory_space<semaphore_mem>>)
    %add3A_200 = arith.constant 768 : i32
    %add3A_201 = arith.addi %mul3A_4, %add3A_200 : i32
    %run_scoped3A_202 = arith.constant 0 : i32
    "tpu.region"() ({
      %run_scoped3A_218 = tpu.sem_alloc : memref<!tpu.dma_semaphore, #tpu.memory_space<semaphore_mem>>
      %dma_start3A_219 = arith.constant 0 : i32
      %dma_start3A_220 = arith.constant 0 : i32
      %dma_start3A_221 = tpu.memref_slice %arg6[%run_scoped3A_202, %dma_start3A_219, %dma_start3A_220] : memref<2x128x128xf32, #tpu.memory_space<vmem>> -> memref<1x128x128xf32, #tpu.memory_space<vmem>>
      %dma_start3A_222 = tpu.memref_squeeze %dma_start3A_221 : memref<1x128x128xf32, #tpu.memory_space<vmem>> -> memref<128x128xf32, #tpu.memory_space<vmem>>
      %dma_start3A_223 = arith.constant 0 : i32
      %dma_start3A_224 = tpu.memref_slice %arg4[%add3A_201, %dma_start3A_223] : memref<32768x128xf32, #tpu.memory_space<hbm>> -> memref<128x128xf32, #tpu.memory_space<hbm>>
      %dma_start3A_225 = arith.constant 0 : i32
      %dma_start3A_226 = tpu.memref_slice %arg4[%add3A_201, %dma_start3A_225] : memref<32768x128xf32, #tpu.memory_space<hbm>> -> memref<128x128xf32, #tpu.memory_space<hbm>>
      %dma_start3A_227 = arith.constant 0 : i32
      %dma_start3A_228 = arith.constant 0 : i32
      %dma_start3A_229 = tpu.memref_slice %arg6[%run_scoped3A_202, %dma_start3A_227, %dma_start3A_228] : memref<2x128x128xf32, #tpu.memory_space<vmem>> -> memref<1x128x128xf32, #tpu.memory_space<vmem>>
      %dma_start3A_230 = tpu.memref_squeeze %dma_start3A_229 : memref<1x128x128xf32, #tpu.memory_space<vmem>> -> memref<128x128xf32, #tpu.memory_space<vmem>>
      tpu.enqueue_dma source(%dma_start3A_230 : memref<128x128xf32, #tpu.memory_space<vmem>>) target(%dma_start3A_226 : memref<128x128xf32, #tpu.memory_space<hbm>>) target_semaphore(%run_scoped3A_218 : memref<!tpu.dma_semaphore, #tpu.memory_space<semaphore_mem>>)
      %dma_wait3A_231 = arith.constant 0 : i32
      %dma_wait3A_232 = arith.constant 0 : i32
      %dma_wait3A_233 = tpu.memref_slice %arg6[%run_scoped3A_202, %dma_wait3A_231, %dma_wait3A_232] : memref<2x128x128xf32, #tpu.memory_space<vmem>> -> memref<1x128x128xf32, #tpu.memory_space<vmem>>
      %dma_wait3A_234 = tpu.memref_squeeze %dma_wait3A_233 : memref<1x128x128xf32, #tpu.memory_space<vmem>> -> memref<128x128xf32, #tpu.memory_space<vmem>>
      %dma_wait3A_235 = arith.constant 0 : i32
      %dma_wait3A_236 = tpu.memref_slice %arg4[%add3A_201, %dma_wait3A_235] : memref<32768x128xf32, #tpu.memory_space<hbm>> -> memref<128x128xf32, #tpu.memory_space<hbm>>
      %dma_wait3A_237 = arith.constant 0 : i32
      %dma_wait3A_238 = tpu.memref_slice %arg4[%add3A_201, %dma_wait3A_237] : memref<32768x128xf32, #tpu.memory_space<hbm>> -> memref<128x128xf32, #tpu.memory_space<hbm>>
      %dma_wait3A_239 = arith.constant 0 : i32
      %dma_wait3A_240 = arith.constant 0 : i32
      %dma_wait3A_241 = tpu.memref_slice %arg6[%run_scoped3A_202, %dma_wait3A_239, %dma_wait3A_240] : memref<2x128x128xf32, #tpu.memory_space<vmem>> -> memref<1x128x128xf32, #tpu.memory_space<vmem>>
      %dma_wait3A_242 = tpu.memref_squeeze %dma_wait3A_241 : memref<1x128x128xf32, #tpu.memory_space<vmem>> -> memref<128x128xf32, #tpu.memory_space<vmem>>
      tpu.wait_dma2 semaphore(%run_scoped3A_218 : memref<!tpu.dma_semaphore, #tpu.memory_space<semaphore_mem>>) src(%dma_wait3A_242 : memref<128x128xf32, #tpu.memory_space<vmem>>) dst(%dma_wait3A_238 : memref<128x128xf32, #tpu.memory_space<hbm>>)
      tpu.yield
    }) : () -> ()
    %dma_wait3A_203 = arith.constant 7 : i32
    %dma_wait3A_204 = arith.constant 1 : i32
    %dma_wait3A_205 = arith.constant 0 : i32
    %dma_wait3A_206 = arith.constant 0 : i32
    %dma_wait3A_207 = tpu.memref_slice %arg6[%dma_wait3A_204, %dma_wait3A_205, %dma_wait3A_206] : memref<2x128x128xf32, #tpu.memory_space<vmem>> -> memref<1x128x128xf32, #tpu.memory_space<vmem>>
    %dma_wait3A_208 = tpu.memref_squeeze %dma_wait3A_207 : memref<1x128x128xf32, #tpu.memory_space<vmem>> -> memref<128x128xf32, #tpu.memory_space<vmem>>
    %dma_wait3A_209 = arith.constant 0 : i32
    %dma_wait3A_210 = tpu.memref_slice %arg5[%dma_wait3A_203, %dma_wait3A_209] : memref<8x128xi32, #tpu.memory_space<vmem>> -> memref<1x128xi32, #tpu.memory_space<vmem>>
    %dma_wait3A_211 = tpu.memref_squeeze %dma_wait3A_210 : memref<1x128xi32, #tpu.memory_space<vmem>> -> memref<128xi32, #tpu.memory_space<vmem>>
    %dma_wait3A_212 = arith.constant 0 : i32
    %dma_wait3A_213 = arith.constant 0 : i32
    %dma_wait3A_214 = tpu.memref_slice %arg2[%dma_wait3A_212, %dma_wait3A_213] : memref<1024x128xf32, #tpu.memory_space<hbm>> -> memref<1024x128xf32, #tpu.memory_space<hbm>>
    tpu.wait_indirect_dma semaphore(%arg7 : memref<!tpu.dma_semaphore, #tpu.memory_space<semaphore_mem>>) src(%dma_wait3A_214 : memref<1024x128xf32, #tpu.memory_space<hbm>>) dst(%dma_wait3A_208 : memref<128x128xf32, #tpu.memory_space<vmem>>)
    %add3A_215 = arith.constant 896 : i32
    %add3A_216 = arith.addi %mul3A_4, %add3A_215 : i32
    %run_scoped3A_217 = arith.constant 1 : i32
    "tpu.region"() ({
      %run_scoped3A_218 = tpu.sem_alloc : memref<!tpu.dma_semaphore, #tpu.memory_space<semaphore_mem>>
      %dma_start3A_219 = arith.constant 0 : i32
      %dma_start3A_220 = arith.constant 0 : i32
      %dma_start3A_221 = tpu.memref_slice %arg6[%run_scoped3A_217, %dma_start3A_219, %dma_start3A_220] : memref<2x128x128xf32, #tpu.memory_space<vmem>> -> memref<1x128x128xf32, #tpu.memory_space<vmem>>
      %dma_start3A_222 = tpu.memref_squeeze %dma_start3A_221 : memref<1x128x128xf32, #tpu.memory_space<vmem>> -> memref<128x128xf32, #tpu.memory_space<vmem>>
      %dma_start3A_223 = arith.constant 0 : i32
      %dma_start3A_224 = tpu.memref_slice %arg4[%add3A_216, %dma_start3A_223] : memref<32768x128xf32, #tpu.memory_space<hbm>> -> memref<128x128xf32, #tpu.memory_space<hbm>>
      %dma_start3A_225 = arith.constant 0 : i32
      %dma_start3A_226 = tpu.memref_slice %arg4[%add3A_216, %dma_start3A_225] : memref<32768x128xf32, #tpu.memory_space<hbm>> -> memref<128x128xf32, #tpu.memory_space<hbm>>
      %dma_start3A_227 = arith.constant 0 : i32
      %dma_start3A_228 = arith.constant 0 : i32
      %dma_start3A_229 = tpu.memref_slice %arg6[%run_scoped3A_217, %dma_start3A_227, %dma_start3A_228] : memref<2x128x128xf32, #tpu.memory_space<vmem>> -> memref<1x128x128xf32, #tpu.memory_space<vmem>>
      %dma_start3A_230 = tpu.memref_squeeze %dma_start3A_229 : memref<1x128x128xf32, #tpu.memory_space<vmem>> -> memref<128x128xf32, #tpu.memory_space<vmem>>
      tpu.enqueue_dma source(%dma_start3A_230 : memref<128x128xf32, #tpu.memory_space<vmem>>) target(%dma_start3A_226 : memref<128x128xf32, #tpu.memory_space<hbm>>) target_semaphore(%run_scoped3A_218 : memref<!tpu.dma_semaphore, #tpu.memory_space<semaphore_mem>>)
      %dma_wait3A_231 = arith.constant 0 : i32
      %dma_wait3A_232 = arith.constant 0 : i32
      %dma_wait3A_233 = tpu.memref_slice %arg6[%run_scoped3A_217, %dma_wait3A_231, %dma_wait3A_232] : memref<2x128x128xf32, #tpu.memory_space<vmem>> -> memref<1x128x128xf32, #tpu.memory_space<vmem>>
      %dma_wait3A_234 = tpu.memref_squeeze %dma_wait3A_233 : memref<1x128x128xf32, #tpu.memory_space<vmem>> -> memref<128x128xf32, #tpu.memory_space<vmem>>
      %dma_wait3A_235 = arith.constant 0 : i32
      %dma_wait3A_236 = tpu.memref_slice %arg4[%add3A_216, %dma_wait3A_235] : memref<32768x128xf32, #tpu.memory_space<hbm>> -> memref<128x128xf32, #tpu.memory_space<hbm>>
      %dma_wait3A_237 = arith.constant 0 : i32
      %dma_wait3A_238 = tpu.memref_slice %arg4[%add3A_216, %dma_wait3A_237] : memref<32768x128xf32, #tpu.memory_space<hbm>> -> memref<128x128xf32, #tpu.memory_space<hbm>>
      %dma_wait3A_239 = arith.constant 0 : i32
      %dma_wait3A_240 = arith.constant 0 : i32
      %dma_wait3A_241 = tpu.memref_slice %arg6[%run_scoped3A_217, %dma_wait3A_239, %dma_wait3A_240] : memref<2x128x128xf32, #tpu.memory_space<vmem>> -> memref<1x128x128xf32, #tpu.memory_space<vmem>>
      %dma_wait3A_242 = tpu.memref_squeeze %dma_wait3A_241 : memref<1x128x128xf32, #tpu.memory_space<vmem>> -> memref<128x128xf32, #tpu.memory_space<vmem>>
      tpu.wait_dma2 semaphore(%run_scoped3A_218 : memref<!tpu.dma_semaphore, #tpu.memory_space<semaphore_mem>>) src(%dma_wait3A_242 : memref<128x128xf32, #tpu.memory_space<vmem>>) dst(%dma_wait3A_238 : memref<128x128xf32, #tpu.memory_space<hbm>>)
      tpu.yield
    }) : () -> ()
    return
  }
}

module attributes {stable_mosaic.version = 14 : i64} {
  func.func @_assign_kernel(%arg0: i32, %arg1: memref<512x128xf32, #tpu.memory_space<vmem>>, %arg2: memref<1024x128xf32, #tpu.memory_space<vmem>>, %arg3: memref<1x1x512xi32, #tpu.memory_space<vmem>>, %arg4: memref<1x1xf32, #tpu.memory_space<smem>>, %arg5: memref<1024x1xf32, #tpu.memory_space<vmem>>) attributes {dimension_semantics = [#tpu.dimension_semantics<arbitrary>], iteration_bounds = array<i64: 64>, scalar_prefetch = 0 : i64, scratch_operands = 1 : i64, tpu.core_type = #tpu.core_type<tc>, window_params = [{transform_indices = @transform_0, window_bounds = array<i64: 512, 128>}, {pipeline_mode = #tpu.pipeline_mode<synchronous>, transform_indices = @transform_1, window_bounds = array<i64: 1024, 128>}, {transform_indices = @transform_2, window_bounds = array<i64: 1, 1, 512>}, {transform_indices = @transform_3, window_bounds = array<i64: 1, 1>}]} {
    %eq3A = arith.constant 0 : i32
    %eq3A_0 = arith.cmpi eq, %arg0, %eq3A : i32
    %convert_element_type3A = arith.extui %eq3A_0 : i1 to i32
    %cond3A = arith.constant 0 : i32
    %cond3A_1 = arith.cmpi ne, %convert_element_type3A, %cond3A : i32
    scf.if %cond3A_1 {
      %get3A_39 = arith.constant 0 : index
      %get3A_40 = arith.constant 0 : index
      %get3A_41 = vector.load %arg2[%get3A_39, %get3A_40] : memref<1024x128xf32, #tpu.memory_space<vmem>>, vector<1024x128xf32>
      %mul3A_42 = arith.mulf %get3A_41, %get3A_41 : vector<1024x128xf32>
      %reduce_sum3A_43 = arith.constant dense<0.000000e+00> : vector<1024xf32>
      %reduce_sum3A_44 = vector.multi_reduction <add>, %mul3A_42, %reduce_sum3A_43 [1] : vector<1024x128xf32> to vector<1024xf32>
      %broadcast_in_dim3A = vector.shape_cast %reduce_sum3A_44 : vector<1024xf32> to vector<1024x1xf32>
      %mul3A_45 = arith.constant 5.000000e-01 : f32
      %mul3A_46 = vector.broadcast %mul3A_45 : f32 to vector<1024x1xf32>
      %mul3A_47 = arith.mulf %mul3A_46, %broadcast_in_dim3A : vector<1024x1xf32>
      %swap3A_48 = arith.constant 0 : index
      %swap3A_49 = arith.constant 0 : index
      %swap3A_50 = vector.load %arg5[%swap3A_48, %swap3A_49] : memref<1024x1xf32, #tpu.memory_space<vmem>>, vector<1024x1xf32>
      tpu.vector_store %arg5[%swap3A_48, %swap3A_49], %mul3A_47 {strides = array<i32>} : memref<1024x1xf32, #tpu.memory_space<vmem>>, vector<1024x1xf32>,
    } else {
    }
    %get3A = arith.constant 0 : index
    %get3A_2 = arith.constant 0 : index
    %get3A_3 = vector.load %arg1[%get3A, %get3A_2] : memref<512x128xf32, #tpu.memory_space<vmem>>, vector<512x128xf32>
    %get3A_4 = arith.constant 0 : index
    %get3A_5 = arith.constant 0 : index
    %get3A_6 = vector.load %arg2[%get3A_4, %get3A_5] : memref<1024x128xf32, #tpu.memory_space<vmem>>, vector<1024x128xf32>
    %dot_general3A = arith.constant dense<0.000000e+00> : vector<1024x512xf32>
    %dot_general3A_7 = tpu.matmul %get3A_6, %get3A_3, %dot_general3A {dimension_numbers = #tpu.dot_dimension_numbers<[1], [1], [0], [0], [0, 0, 1, 0], [], []>, transpose_lhs_hint = false} : vector<1024x128xf32>, vector<512x128xf32>, vector<1024x512xf32> -> vector<1024x512xf32>
    %get3A_8 = arith.constant 0 : index
    %get3A_9 = arith.constant 0 : index
    %get3A_10 = vector.load %arg5[%get3A_8, %get3A_9] : memref<1024x1xf32, #tpu.memory_space<vmem>>, vector<1024x1xf32>
    %sub3A = vector.broadcast %get3A_10 : vector<1024x1xf32> to vector<1024x512xf32>
    %sub3A_11 = arith.subf %dot_general3A_7, %sub3A : vector<1024x512xf32>
    %reduce_max3A = arith.constant dense<0xFF800000> : vector<512xf32>
    %reduce_max3A_12 = vector.multi_reduction <maximumf>, %sub3A_11, %reduce_max3A [0] : vector<1024x512xf32> to vector<512xf32>
    %argmax3A = tpu.reduce_index %sub3A_11 {axis = 0 : i32, kind = #tpu.reduction_kind<arg_max>} : vector<1024x512xf32> -> vector<512xi32>
    %swap3A = arith.constant 0 : index
    %swap3A_13 = arith.constant 0 : index
    %swap3A_14 = arith.constant 0 : index
    %swap3A_15 = vector.load %arg3[%swap3A, %swap3A_13, %swap3A_14] : memref<1x1x512xi32, #tpu.memory_space<vmem>>, vector<1x1x512xi32>
    %swap3A_16 = vector.shape_cast %swap3A_15 : vector<1x1x512xi32> to vector<512xi32>
    %swap3A_17 = vector.shape_cast %argmax3A : vector<512xi32> to vector<1x1x512xi32>
    tpu.vector_store %arg3[%swap3A, %swap3A_13, %swap3A_14], %swap3A_17 {strides = array<i32>} : memref<1x1x512xi32, #tpu.memory_space<vmem>>, vector<1x1x512xi32>,
    %mul3A = arith.mulf %get3A_3, %get3A_3 : vector<512x128xf32>
    %reduce_sum3A = vector.shape_cast %mul3A : vector<512x128xf32> to vector<1x512x128xf32>
    %reduce_sum3A_18 = arith.constant dense<0.000000e+00> : vector<1xf32>
    %reduce_sum3A_19 = vector.multi_reduction <add>, %reduce_sum3A, %reduce_sum3A_18 [1, 2] : vector<1x512x128xf32> to vector<1xf32>
    %reduce_sum3A_20 = vector.shape_cast %reduce_sum3A_19 : vector<1xf32> to vector<1x1x1xf32>
    %reduce_sum3A_21 = vector.extract %reduce_sum3A_20[0, 0, 0] : f32 from vector<1x1x1xf32>
    %reduce_sum3A_22 = vector.shape_cast %reduce_max3A_12 : vector<512xf32> to vector<1x512xf32>
    %reduce_sum3A_23 = arith.constant dense<0.000000e+00> : vector<1xf32>
    %reduce_sum3A_24 = vector.multi_reduction <add>, %reduce_sum3A_22, %reduce_sum3A_23 [1] : vector<1x512xf32> to vector<1xf32>
    %reduce_sum3A_25 = vector.shape_cast %reduce_sum3A_24 : vector<1xf32> to vector<1x1xf32>
    %reduce_sum3A_26 = vector.extract %reduce_sum3A_25[0, 0] : f32 from vector<1x1xf32>
    %mul3A_27 = arith.constant 2.000000e+00 : f32
    %mul3A_28 = arith.mulf %mul3A_27, %reduce_sum3A_26 : f32
    %sub3A_29 = arith.subf %reduce_sum3A_21, %mul3A_28 : f32
    %eq3A_30 = arith.constant 0 : i32
    %eq3A_31 = arith.cmpi eq, %arg0, %eq3A_30 : i32
    %convert_element_type3A_32 = arith.extui %eq3A_31 : i1 to i32
    %cond3A_33 = arith.constant 0 : i32
    %cond3A_34 = arith.cmpi ne, %convert_element_type3A_32, %cond3A_33 : i32
    scf.if %cond3A_34 {
      %swap3A_39 = arith.constant 0 : index
      %swap3A_40 = arith.constant 0 : index
      %swap3A_41 = memref.load %arg4[%swap3A_39, %swap3A_40] : memref<1x1xf32, #tpu.memory_space<smem>>
      memref.store %sub3A_29, %arg4[%swap3A_39, %swap3A_40] : memref<1x1xf32, #tpu.memory_space<smem>>
    } else {
    }
    %gt3A = arith.constant 0 : i32
    %gt3A_35 = arith.cmpi sgt, %arg0, %gt3A : i32
    %convert_element_type3A_36 = arith.extui %gt3A_35 : i1 to i32
    %cond3A_37 = arith.constant 0 : i32
    %cond3A_38 = arith.cmpi ne, %convert_element_type3A_36, %cond3A_37 : i32
    scf.if %cond3A_38 {
      %get3A_39 = arith.constant 0 : index
      %get3A_40 = arith.constant 0 : index
      %get3A_41 = memref.load %arg4[%get3A_39, %get3A_40] : memref<1x1xf32, #tpu.memory_space<smem>>
      %add3A = arith.addf %get3A_41, %sub3A_29 : f32
      %swap3A_42 = arith.constant 0 : index
      %swap3A_43 = arith.constant 0 : index
      %swap3A_44 = memref.load %arg4[%swap3A_42, %swap3A_43] : memref<1x1xf32, #tpu.memory_space<smem>>
      memref.store %add3A, %arg4[%swap3A_42, %swap3A_43] : memref<1x1xf32, #tpu.memory_space<smem>>
    } else {
    }
    return
  }
  func.func @transform_0(%arg0: i32) -> (i32, i32) {
    %c0_i32 = arith.constant 0 : i32
    %c0_i32_0 = arith.constant 0 : i32
    return %arg0, %c0_i32 : i32, i32
  }
  func.func @transform_1(%arg0: i32) -> (i32, i32) {
    %c0_i32 = arith.constant 0 : i32
    %c0_i32_0 = arith.constant 0 : i32
    %c0_i32_1 = arith.constant 0 : i32
    return %c0_i32, %c0_i32_0 : i32, i32
  }
  func.func @transform_2(%arg0: i32) -> (i32, i32, i32) {
    %c0_i32 = arith.constant 0 : i32
    %c0_i32_0 = arith.constant 0 : i32
    %c0_i32_1 = arith.constant 0 : i32
    return %arg0, %c0_i32, %c0_i32_0 : i32, i32, i32
  }
  func.func @transform_3(%arg0: i32) -> (i32, i32) {
    %c0_i32 = arith.constant 0 : i32
    %c0_i32_0 = arith.constant 0 : i32
    %c0_i32_1 = arith.constant 0 : i32
    return %c0_i32, %c0_i32_0 : i32, i32
  }
}

</mosaic_0001>

<sc_bundles>
// kernel: kernel.4.cloned.1.call-start
scs
__scs_entry_jumppad:
0x0: {  	(pc) =	sbr.rel $0x88, $3  }
0x1: {  	(tag) =	ssettag $0x0;
	lr =	simm.s32 $0x1  }
0x2: {  	[smem:$0x3F9F] =	sst lr;
	_ =	strace $0xD0000000  }
0x3: {  	_ = 	snop  }
0x4: {  	_ = 	snop  }
0x5: {  	_ = 	snop  }
0x6: {  	_ = 	snop  }
0x7: {  	_ = 	snop  }
__scs_overlays_trampoline_lowered:
0x8: {  	[smem:$0x3FAE] =	sst s0  }
0x9: {  	[smem:$0x3FAF] =	sst s1  }
0xa: {  	[smem:$0x3FB0] =	sst s2  }
0xb: {  	[smem:$0x3FB1] =	sst s3  }
0xc: {  	[smem:$0x3FB2] =	sst s4  }
0xd: {  	[smem:$0x3FB3] =	sst s5  }
0xe: {  	[smem:$0x3FB4] =	sst s6  }
0xf: {  	[smem:$0x3FB5] =	sst s7  }
0x10: {  	[smem:$0x3FB6] =	sst s8  }
0x11: {  	[smem:$0x3FB7] =	sst s9;
	s0 =	simm.s32 @!p0 $0x0  }
0x12: {  	s1 =	sld [smem:$0x3F9D];
	s0 =	simm.s32 @p0 $0x1  }
0x13: {  	[smem:$0x3FB8] =	sst s0;
	s0 =	simm.s32 @!p1 $0x0  }
0x14: {  	s2 =	sld [smem:$0x3F9C];
	s0 =	simm.s32 @p1 $0x1  }
0x15: {  	[smem:$0x3FB9] =	sst s0;
	s0 =	simm.s32 @!p2 $0x0  }
0x16: {  	s3 =	sld [smem:$0x3FDB];
	s0 =	simm.s32 @p2 $0x1  }
0x17: {  	s4 =	simm.s32 $0x1BF5;
	[smem:$0x3FBB] =	sst s0  }
0x18: {  	s0 =	sld [smem:$0x3F9E];
	_ =	swait.ge [sflag:s4], $0x0  }
0x19: {  	s7 =	sld [smem:$0x3F9F]  }
0x1a: {  	s8 =	sadd.s32 $0xFFFFE003, lr  }
0x1b: {  	s9 =	sadd.s32 $0xFFFFFEF7, lr;
	s5 =	simm.s32 $0xFFFFFFFF;
	p2 =	slt.u32 s8, $0xFFFFF086  }
0x1c: {  	p1 =	slt.u32 s9, $0xF7A;
	s5 =	simm.s32 @!p2 $0x0  }
0x1d: {  	s5 =	simm.s32 @p1 $0x1;
	p0 =	seq.s32 s7, s2  }
0x1e: {  	s7 =	smul.u32 @!p0 $0xF7A, s2;
	p2 =	seq.s32 @!p0 s5, $0x0  }
0x1f: {  	s9 =	smul.u32 $0xF7A, s1;
	s8 =	simm.s32 @!p0 $0x1BF5;
	p2 =	por !p2, p0  }
0x20: {  	[sflag:s8] =	ssyncset.s32 @!p0 $0xFFFFF086;
	s6 =	sadd.s32 @!p0 s3, s7;
	s7 =	simm.s32 @!p0 $0x108  }
0x21: {  	s3 =	sadd.s32 s3, s9;
	s6 =	sadd.s32 @!p0 $0x88, s6;
	s7 =	simm.s32 @p2 $0x1082  }
0x22: {  	[simem:s7], [sflag:s8] =	dma.local @!p0 [hbm:s6], $0xF7A  }
0x23: {  	s9 =	sor.u32 $0xD0000000, s2;
	s6 =	simm.s32 $0x108;
	_ =	swait.ge @!p0 [sflag:s8], $0x0  }
0x24: {  	s3 =	sadd.s32 $0x88, s3;
	s6 =	simm.s32 @!p1 $0x1082;
	[sflag:s4] =	ssyncset.s32 $0xFFFFF086  }
0x25: {  	[simem:s6], [sflag:s4] =	dma.local [hbm:s3], $0xF7A  }
0x26: {  	[smem:$0x3F9F] =	sst s1;
	(tag) =	ssettag s2;
	_ =	strace s9  }
0x27: {  	s1 =	sld [smem:$0x3FAF]  }
0x28: {  	s2 =	sld [smem:$0x3FB0]  }
0x29: {  	s4 =	sld [smem:$0x3FB2]  }
0x2a: {  	p0 =	seq.s32 s5, $0x0;
	s5 =	sld [smem:$0x3FB3]  }
0x2b: {  	s6 =	sld [smem:$0x3FB4]  }
0x2c: {  	s7 =	sld [smem:$0x3FB5]  }
0x2d: {  	s3 =	simm.s32 $0x108;
	s8 =	sld [smem:$0x3FB6]  }
0x2e: {  	s3 =	simm.s32 @!p0 $0x1082;
	s9 =	sld [smem:$0x3FB7]  }
0x2f: {  	lr =	sadd.s32 s0, s3;
	s0 =	sld [smem:$0x3FAE]  }
0x30: {  	s3 =	sld [smem:$0x3FB1]  }
0x31: {  	[smem:$0x3FBA] =	sst s10  }
0x32: {  	s10 =	sld [smem:$0x3FB8];
	_ =	sdelay $0x3  }
0x33: {  	p0 =	seq.s32 s10, $0x1;
	s10 =	sld [smem:$0x3FBA];
	_ =	sdelay $0x3  }
0x34: {  	[smem:$0x3FBA] =	sst s10  }
0x35: {  	s10 =	sld [smem:$0x3FB9];
	_ =	sdelay $0x3  }
0x36: {  	p1 =	seq.s32 s10, $0x1;
	s10 =	sld [smem:$0x3FBA];
	_ =	sdelay $0x3  }
0x37: {  	[smem:$0x3FBA] =	sst s10  }
0x38: {  	s10 =	sld [smem:$0x3FBB]  }
0x39: {  	_ = 	snop;
	(pc) =	sbr.ind lr, $3  }
0x3a: {  	_ = 	snop  }
0x3b: {  	_ = 	snop  }
0x3c: {  	p2 =	seq.s32 s10, $0x1;
	s10 =	sld [smem:$0x3FBA]  }
0x3d: {  	_ =	shalt  }
0x3e: {  	_ =	shalt  }
0x3f: {  	_ =	shalt  }
0x40: {  	_ =	shalt  }
0x41: {  	_ =	shalt  }
0x42: {  	_ =	shalt  }
0x43: {  	_ =	shalt  }
0x44: {  	_ =	shalt  }
0x45: {  	_ =	shalt  }
0x46: {  	_ =	shalt  }
0x47: {  	_ =	shalt  }
0x48: {  	_ =	shalt  }
0x49: {  	_ =	shalt  }
0x4a: {  	_ =	shalt  }
0x4b: {  	_ =	shalt  }
0x4c: {  	_ =	shalt  }
0x4d: {  	_ =	shalt  }
0x4e: {  	_ =	shalt  }
0x4f: {  	_ =	shalt  }
0x50: {  	_ =	shalt  }
0x51: {  	_ =	shalt  }
0x52: {  	_ =	shalt  }
0x53: {  	_ =	shalt  }
0x54: {  	_ =	shalt  }
0x55: {  	_ =	shalt  }
0x56: {  	_ =	shalt  }
0x57: {  	_ =	shalt  }
0x58: {  	_ =	shalt  }
0x59: {  	_ =	shalt  }
0x5a: {  	_ =	shalt  }
0x5b: {  	_ =	shalt  }
0x5c: {  	_ =	shalt  }
0x5d: {  	_ =	shalt  }
0x5e: {  	_ =	shalt  }
0x5f: {  	_ =	shalt  }
0x60: {  	_ =	shalt  }
0x61: {  	_ =	shalt  }
0x62: {  	_ =	shalt  }
0x63: {  	_ =	shalt  }
0x64: {  	_ =	shalt  }
0x65: {  	_ =	shalt  }
0x66: {  	_ =	shalt  }
0x67: {  	_ =	shalt  }
0x68: {  	_ =	shalt  }
0x69: {  	_ =	shalt  }
0x6a: {  	_ =	shalt  }
0x6b: {  	_ =	shalt  }
0x6c: {  	_ =	shalt  }
0x6d: {  	_ =	shalt  }
0x6e: {  	_ =	shalt  }
0x6f: {  	_ =	shalt  }
0x70: {  	_ =	shalt  }
0x71: {  	_ =	shalt  }
0x72: {  	_ =	shalt  }
0x73: {  	_ =	shalt  }
0x74: {  	_ =	shalt  }
0x75: {  	_ =	shalt  }
0x76: {  	_ =	shalt  }
0x77: {  	_ =	shalt  }
0x78: {  	_ =	shalt  }
0x79: {  	_ =	shalt  }
0x7a: {  	_ =	shalt  }
0x7b: {  	_ =	shalt  }
0x7c: {  	_ =	shalt  }
0x7d: {  	_ =	shalt  }
0x7e: {  	_ =	shalt  }
0x7f: {  	_ =	shalt  }
0x80: {  	_ =	shalt  }
0x81: {  	_ =	shalt  }
0x82: {  	_ =	shalt  }
0x83: {  	_ =	shalt  }
0x84: {  	_ =	shalt  }
0x85: {  	_ =	shalt  }
0x86: {  	_ =	shalt  }
0x87: {  	_ =	shalt  }
.Lfunc_end0:
.L_simem_size_0:
called_computation_lowered:
.L_overlay_start_0:
0x88: {  	s2 =	sld [smem:$0x3FD9]  }
0x89: {  	s3 =	sld [smem:$0x3FFE];
	_ =	sdelay $0x1  }
0x8a: {  	s1 =	srdreg.scid  }
0x8b: {  	s0 =	sand.u32 $0x1, s1  }
0x8c: {  	s14 =	sshll.u32 s0, $0xA;
	s2 =	sadd.s32 s3, s2  }
0x8d: {  	s2 =	sadd.s32 s2, s14  }
0x8e: {  	[smem:$0x3FC6] =	sst s2  }
0x8f: {  	_ = 	snop  }
0x90: {  	s2 =	sld [smem:$0x3FD0];
	_ =	sdelay $0x2  }
0x91: {  	s4 =	simm.s32 $0xA;
	s5 =	simm.s32 $0x10;
	s15 =	sld [smem:$0x3FC8]  }
0x92: {  	[smem:s5], [sflag:s4] =	dma.local [hbm:s2], $0x1  }
0x93: {  	_ =	swait.eq [sflag:s4], $0x1  }
0x94: {  	[sflag:s4] =	ssyncset.done $0x0  }
0x95: {  	[sflag:s4] =	ssyncadd.s32 $0xFFFFFFFF  }
0x96: {  	s16 =	sld [smem:$0x10];
	(tm) =	ssettm $0x1  }
0x97: {  	s17 =	sld [smem:$0x3FFB];
	_ =	sdelay $0x3  }
0x98: {  	_ =	strace s17  }
0x99: {  	s4 =	sld [smem:$0x3FFC];
	_ =	sdelay $0x3  }
0x9a: {  	_ =	strace s4  }
0x9b: {  	s4 =	sld [smem:$0x3FFD];
	_ =	sdelay $0x3  }
0x9c: {  	_ =	strace s4  }
0x9d: {  	_ =	strace $0x8FFFFFFF  }
0x9e: {  	s18 =	sld [smem:$0x3FDB];
	_ =	sdelay $0x1  }
0x9f: {  	s19 =	simm.s32 $_scs_section_size  }
0xa0: {  	s6 =	simm.s32 $_size__tile_overlayer_lowered;
	s7 =	simm.s32 $_tile_overlayer_lowered  }
0xa1: {  	s22 =	simm.s32 $0x1BFF;
	s21 =	sshll.u32 s7, $0x1;
	s4 =	sadd.s32 s19, s18  }
0xa2: {  	s8 =	simm.s32 $0x0;
	s20 =	sshll.u32 s6, $0x1;
	s6 =	sadd.s32 s21, s4  }
0xa3: {  	[timem:s8], [sflag:s22] =	dma.local [hbm:s6], s20  }
0xa4: {  	_ =	swait.ge [sflag:s22], s20  }
0xa5: {  	s5 =	ssub.s32 $0x0, s20;
	[sflag:s22] =	ssyncset.done $0x0  }
0xa6: {  	[sflag:s22] =	ssyncadd.s32 s5;
	_ =	sdelay $0x1  }
0xa7: {  	s23 =	simm.s32 $0x1B8B  }
0xa8: {  	_ =	swait.ge [sflag:s23], $0x1  }
0xa9: {  	[sflag:s23] =	ssyncset.done $0x0  }
0xaa: {  	s25 =	simm.s32 $0x1B8E;
	s24 =	sld [smem:$0x3FFE];
	[sflag:s23] =	ssyncadd.s32 $0xFFFFFFFF  }
0xab: {  	s26 =	simm.s32 $execute0_lowered;
	[smem:$0x3FD2] =	sst s25  }
0xac: {  	s6 =	sshll.u32 s26, $0x1;
	_ =	strace $0x80000046;
	[dreg:$0x1] =	wrdreg $0xFFFFFFFF  }
0xad: {  	s28 =	simm.s32 $_size_execute0_lowered;
	s4 =	sadd.s32 s4, s6;
	[dreg:$0x0] =	wrdreg $0x0  }
0xae: {  	s6 =	sshll.u32 s28, $0x1;
	[dreg:$0x2] =	wrdreg s4  }
0xaf: {  	[dreg:$0x3] =	wrdreg s6  }
0xb0: {  	[dreg:$0x4] =	wrdreg $0xC0  }
0xb1: {  	_ =	task [dreg:s8], $0x5FFFF  }
0xb2: {  	[dreg:$0x1] =	wrdreg $0xFFFFFFFF  }
0xb3: {  	[dreg:$0x0] =	wrdreg $0x60  }
0xb4: {  	[dreg:$0x2] =	wrdreg s15  }
0xb5: {  	[dreg:$0x3] =	wrdreg s24  }
0xb6: {  	[dreg:$0x4] =	wrdreg s16  }
0xb7: {  	[dreg:$0x5] =	wrdreg $0x9  }
0xb8: {  	_ =	task.clear_ibuf [dreg:s8], $0x6FFFF;
	_ =	strace $0x90000046  }
0xb9: {  	s29 =	simm.s32 $0x9;
	_ =	strace $0x80000048  }
0xba: {  	_ =	swait.ge [sflag:s29], $0x1  }
0xbb: {  	[sflag:s29] =	ssyncadd.s32 $0xFFFFFFFF  }
0xbc: {  	_ =	strace $0x90000048  }
0xbd: {  	_ =	sfence  }
0xbe: {  	s30 =	sld [smem:$0x0];
	_ =	sdelay $0x2  }
0xbf: {  	s31 =	sshll.u32 s1, $0xD;
	s1 =	sshrl.u32 s1, $0x2  }
0xc0: {  	s3 =	sand.u32 $0x4000, s31;
	s1 =	sadd.s32 s1, s30  }
0xc1: {  	s0 =	sor.u32 s3, s0;
	s1 =	sshll.u32 s1, $0x11  }
0xc2: {  	s0 =	sor.u32 s1, s0  }
0xc3: {  	s0 =	sadd.s32 $0x8F2B, s0  }
0xc4: {  	[sflag:s0] =	ssyncadd.remote.s32 $0x1  }
0xc5: {  	_ =	sfence.sel $0xFFFF  }
0xc6: {  	[dreg:$0x0] =	wrdreg $0xFFFFFFFF;
	(pc) =	sbr.abs _section_cstart, $3  }
0xc7: {  	[dreg:$0x1] =	wrdreg $0xFFFFFFFF  }
0xc8: {  	_ =	task.clear_ibuf [dreg:s8], $0x2FFFF;
	_ =	strace $0x9FFFFFFF  }
0xc9: {  	(tm) =	ssettm $0x7FFFFFFF  }
tec
execute0_lowered:
.L_overlay_start_1:
0x0: {  	(tag) =	ssettag $0x1  }
0x1: {  	s1 =	rddreg [dreg:$0x0]  }
0x2: {  	s2 =	srdreg.scid;
	s0 =	stileid.u32  }
0x3: {  	s4 =	rddreg [dreg:$0x1];
	s23 =	sand.u32 $0x1, s2;
	s31 =	sshll.u32 s0, $0x1  }
0x4: {  	s10 =	rddreg [dreg:$0x2];
	s9 =	sor.u32 s23, s31  }
0x5: {  	s3 =	simm.s32 $0x0;
	s2 =	rddreg [dreg:$0x3];
	s5 =	sshll.u32 s9, $0x7  }
0x6: {  	[smem:$0x7FF] =	sst s3;
	s4 =	sadd.s32 s5, s4  }
0x7: {  	_ =	strace $0x80000047;
	s5 =	sadd.s32 $0xA00, s4;
	s4 =	simm.s32 $0x2  }
0x8: {  	[tilespmem:s3], [sflag:$0x2] =	stream.linear.gather [hbm4b:s5+s3], $0x400, $0x38;
	[tilespmem:$0x8400] =	vst v63  }
0x9: {  	_ =	swait.ge [sflag:s4], $0x400  }
0xa: {  	s6 =	simm.s32 $0x80;
	[sflag:s4] =	ssyncset.done $0x0  }
0xb: {  	s7 =	simm.s32 $0x400;
	s8 =	simm.s32 $0x1;
	[sflag:s4] =	ssyncadd.s32 $0xFFFFFC00  }
0xc: {  	[tilespmem:s7], [sflag:$0x1] =	stream.indirect.gather [hbm4b:s1+s6], $0x80, s3, s6, $0xb8;
	[tilespmem:$0x8400] =	vst v63  }
0xd: {  	_ =	swait.ge [sflag:s8], $0x4000  }
0xe: {  	[sflag:s8] =	ssyncset.done $0x0  }
0xf: {  	s11 =	sshll.u32 s9, $0xE;
	s9 =	simm.s32 $0x4400;
	[sflag:s8] =	ssyncadd.s32 $0xFFFFC000  }
0x10: {  	[tilespmem:s9], [sflag:$0x1] =	stream.indirect.gather [hbm4b:s1+s6], $0x80, s6, s6, $0xb8;
	[tilespmem:$0x8400] =	vst v63  }
0x11: {  	s10 =	sadd.s32 s10, s11  }
0x12: {  	[hbm4b:s10+s3] =	stream.linear.scatter [tilespmem:s7], [sflag:$0x2], $0x4000, $0x38;
	[tilespmem:$0x8400] =	vst v63  }
0x13: {  	_ =	swait.ge [sflag:s4], $0x4000  }
0x14: {  	[sflag:s4] =	ssyncset.done $0x0  }
0x15: {  	[sflag:s4] =	ssyncadd.s32 $0xFFFFC000  }
0x16: {  	_ =	swait.ge [sflag:s8], $0x4000  }
0x17: {  	[sflag:s8] =	ssyncset.done $0x0  }
0x18: {  	s11 =	simm.s32 $0x100;
	[sflag:s8] =	ssyncadd.s32 $0xFFFFC000  }
0x19: {  	[tilespmem:s7], [sflag:$0x1] =	stream.indirect.gather [hbm4b:s1+s6], $0x80, s11, s6, $0xb8;
	[tilespmem:$0x8400] =	vst v63  }
0x1a: {  	s12 =	sadd.s32 $0x800, s10  }
0x1b: {  	[hbm4b:s12+s3] =	stream.linear.scatter [tilespmem:s9], [sflag:$0x2], $0x4000, $0x38;
	[tilespmem:$0x8400] =	vst v63  }
0x1c: {  	_ =	swait.ge [sflag:s4], $0x4000  }
0x1d: {  	[sflag:s4] =	ssyncset.done $0x0  }
0x1e: {  	[sflag:s4] =	ssyncadd.s32 $0xFFFFC000  }
0x1f: {  	_ =	swait.ge [sflag:s8], $0x4000  }
0x20: {  	[sflag:s8] =	ssyncset.done $0x0  }
0x21: {  	s13 =	simm.s32 $0x180;
	[sflag:s8] =	ssyncadd.s32 $0xFFFFC000  }
0x22: {  	[tilespmem:s9], [sflag:$0x1] =	stream.indirect.gather [hbm4b:s1+s6], $0x80, s13, s6, $0xb8;
	[tilespmem:$0x8400] =	vst v63  }
0x23: {  	s14 =	sadd.s32 $0x1000, s10  }
0x24: {  	[hbm4b:s14+s3] =	stream.linear.scatter [tilespmem:s7], [sflag:$0x2], $0x4000, $0x38;
	[tilespmem:$0x8400] =	vst v63  }
0x25: {  	_ =	swait.ge [sflag:s4], $0x4000  }
0x26: {  	[sflag:s4] =	ssyncset.done $0x0  }
0x27: {  	[sflag:s4] =	ssyncadd.s32 $0xFFFFC000  }
0x28: {  	_ =	swait.ge [sflag:s8], $0x4000  }
0x29: {  	[sflag:s8] =	ssyncset.done $0x0  }
0x2a: {  	s15 =	simm.s32 $0x200;
	[sflag:s8] =	ssyncadd.s32 $0xFFFFC000  }
0x2b: {  	[tilespmem:s7], [sflag:$0x1] =	stream.indirect.gather [hbm4b:s1+s6], $0x80, s15, s6, $0xb8;
	[tilespmem:$0x8400] =	vst v63  }
0x2c: {  	s16 =	sadd.s32 $0x1800, s10  }
0x2d: {  	[hbm4b:s16+s3] =	stream.linear.scatter [tilespmem:s9], [sflag:$0x2], $0x4000, $0x38;
	[tilespmem:$0x8400] =	vst v63  }
0x2e: {  	_ =	swait.ge [sflag:s4], $0x4000  }
0x2f: {  	[sflag:s4] =	ssyncset.done $0x0  }
0x30: {  	[sflag:s4] =	ssyncadd.s32 $0xFFFFC000  }
0x31: {  	_ =	swait.ge [sflag:s8], $0x4000  }
0x32: {  	[sflag:s8] =	ssyncset.done $0x0  }
0x33: {  	s17 =	simm.s32 $0x280;
	[sflag:s8] =	ssyncadd.s32 $0xFFFFC000  }
0x34: {  	[tilespmem:s9], [sflag:$0x1] =	stream.indirect.gather [hbm4b:s1+s6], $0x80, s17, s6, $0xb8;
	[tilespmem:$0x8400] =	vst v63  }
0x35: {  	s18 =	sadd.s32 $0x2000, s10  }
0x36: {  	[hbm4b:s18+s3] =	stream.linear.scatter [tilespmem:s7], [sflag:$0x2], $0x4000, $0x38;
	[tilespmem:$0x8400] =	vst v63  }
0x37: {  	_ =	swait.ge [sflag:s4], $0x4000  }
0x38: {  	[sflag:s4] =	ssyncset.done $0x0  }
0x39: {  	[sflag:s4] =	ssyncadd.s32 $0xFFFFC000  }
0x3a: {  	_ =	swait.ge [sflag:s8], $0x4000  }
0x3b: {  	[sflag:s8] =	ssyncset.done $0x0  }
0x3c: {  	s19 =	simm.s32 $0x300;
	[sflag:s8] =	ssyncadd.s32 $0xFFFFC000  }
0x3d: {  	[tilespmem:s7], [sflag:$0x1] =	stream.indirect.gather [hbm4b:s1+s6], $0x80, s19, s6, $0xb8;
	[tilespmem:$0x8400] =	vst v63  }
0x3e: {  	s20 =	sadd.s32 $0x2800, s10  }
0x3f: {  	[hbm4b:s20+s3] =	stream.linear.scatter [tilespmem:s9], [sflag:$0x2], $0x4000, $0x38;
	[tilespmem:$0x8400] =	vst v63  }
0x40: {  	_ =	swait.ge [sflag:s4], $0x4000  }
0x41: {  	[sflag:s4] =	ssyncset.done $0x0  }
0x42: {  	[sflag:s4] =	ssyncadd.s32 $0xFFFFC000  }
0x43: {  	_ =	swait.ge [sflag:s8], $0x4000  }
0x44: {  	[sflag:s8] =	ssyncset.done $0x0  }
0x45: {  	s21 =	simm.s32 $0x380;
	[sflag:s8] =	ssyncadd.s32 $0xFFFFC000  }
0x46: {  	[tilespmem:s9], [sflag:$0x1] =	stream.indirect.gather [hbm4b:s1+s6], $0x80, s21, s6, $0xb8;
	[tilespmem:$0x8400] =	vst v63  }
0x47: {  	s23 =	ssub.s32 $0x2, s23;
	s22 =	sadd.s32 $0x3000, s10  }
0x48: {  	[hbm4b:s22+s3] =	stream.linear.scatter [tilespmem:s7], [sflag:$0x2], $0x4000, $0x38;
	[tilespmem:$0x8400] =	vst v63  }
0x49: {  	s24 =	sshrl.u32 s23, $0x1;
	_ =	swait.ge [sflag:s4], $0x4000  }
0x4a: {  	s24 =	ssub.s32 s23, s24;
	[sflag:s4] =	ssyncset.done $0x0  }
0x4b: {  	s24 =	smax.u32 s24, $0x1;
	[sflag:s4] =	ssyncadd.s32 $0xFFFFC000  }
0x4c: {  	p0 =	sne.s32 s24, $0x1;
	_ =	swait.ge [sflag:s8], $0x4000  }
.Ltmp0:
0x4d: {  	[sflag:s8] =	ssyncset.done $0x0;
	(pc) =	sbr.rel @!p0 .LBB2_2-.Ltmp0, $4  }
0x4e: {  	s23 =	sadd.s32 $0x3800, s10;
	[sflag:s8] =	ssyncadd.s32 $0xFFFFC000  }
0x4f: {  	[hbm4b:s23+s3] =	stream.linear.scatter [tilespmem:s9], [sflag:$0x2], $0x4000, $0x38;
	[tilespmem:$0x8400] =	vst v63  }
0x50: {  	_ =	swait.ge [sflag:s4], $0x4000  }
0x51: {  	s24 =	sadd.s32 $0xFFFFFFFF, s24;
	[sflag:s4] =	ssyncset.done $0x0  }
.LBB2_1:
0x52: {  	p0 =	sne.s32 s24, $0x1;
	s24 =	sadd.s32 $0xFFFFFFFF, s24;
	[sflag:s4] =	ssyncadd.s32 $0xFFFFC000  }
0x53: {  	[tilespmem:s3], [sflag:$0x2] =	stream.linear.gather [hbm4b:s5+s3], $0x400, $0x38;
	[tilespmem:$0x8400] =	vst v63  }
0x54: {  	_ =	swait.ge [sflag:s4], $0x400  }
0x55: {  	[sflag:s4] =	ssyncset.done $0x0  }
0x56: {  	[sflag:s4] =	ssyncadd.s32 $0xFFFFFC00  }
0x57: {  	[tilespmem:s7], [sflag:$0x1] =	stream.indirect.gather [hbm4b:s1+s6], $0x80, s3, s6, $0xb8;
	[tilespmem:$0x8400] =	vst v63  }
0x58: {  	_ =	swait.ge [sflag:s8], $0x4000  }
0x59: {  	[sflag:s8] =	ssyncset.done $0x0  }
0x5a: {  	[sflag:s8] =	ssyncadd.s32 $0xFFFFC000  }
0x5b: {  	[tilespmem:s9], [sflag:$0x1] =	stream.indirect.gather [hbm4b:s1+s6], $0x80, s6, s6, $0xb8;
	[tilespmem:$0x8400] =	vst v63  }
0x5c: {  	_ = 	snop  }
0x5d: {  	[hbm4b:s10+s3] =	stream.linear.scatter [tilespmem:s7], [sflag:$0x2], $0x4000, $0x38;
	[tilespmem:$0x8400] =	vst v63  }
0x5e: {  	_ =	swait.ge [sflag:s4], $0x4000  }
0x5f: {  	[sflag:s4] =	ssyncset.done $0x0  }
0x60: {  	[sflag:s4] =	ssyncadd.s32 $0xFFFFC000  }
0x61: {  	_ =	swait.ge [sflag:s8], $0x4000  }
0x62: {  	[sflag:s8] =	ssyncset.done $0x0  }
0x63: {  	[sflag:s8] =	ssyncadd.s32 $0xFFFFC000  }
0x64: {  	[tilespmem:s7], [sflag:$0x1] =	stream.indirect.gather [hbm4b:s1+s6], $0x80, s11, s6, $0xb8;
	[tilespmem:$0x8400] =	vst v63  }
0x65: {  	_ = 	snop  }
0x66: {  	[hbm4b:s12+s3] =	stream.linear.scatter [tilespmem:s9], [sflag:$0x2], $0x4000, $0x38;
	[tilespmem:$0x8400] =	vst v63  }
0x67: {  	_ =	swait.ge [sflag:s4], $0x4000  }
0x68: {  	[sflag:s4] =	ssyncset.done $0x0  }
0x69: {  	[sflag:s4] =	ssyncadd.s32 $0xFFFFC000  }
0x6a: {  	_ =	swait.ge [sflag:s8], $0x4000  }
0x6b: {  	[sflag:s8] =	ssyncset.done $0x0  }
0x6c: {  	[sflag:s8] =	ssyncadd.s32 $0xFFFFC000  }
0x6d: {  	[tilespmem:s9], [sflag:$0x1] =	stream.indirect.gather [hbm4b:s1+s6], $0x80, s13, s6, $0xb8;
	[tilespmem:$0x8400] =	vst v63  }
0x6e: {  	_ = 	snop  }
0x6f: {  	[hbm4b:s14+s3] =	stream.linear.scatter [tilespmem:s7], [sflag:$0x2], $0x4000, $0x38;
	[tilespmem:$0x8400] =	vst v63  }
0x70: {  	_ =	swait.ge [sflag:s4], $0x4000  }
0x71: {  	[sflag:s4] =	ssyncset.done $0x0  }
0x72: {  	[sflag:s4] =	ssyncadd.s32 $0xFFFFC000  }
0x73: {  	_ =	swait.ge [sflag:s8], $0x4000  }
0x74: {  	[sflag:s8] =	ssyncset.done $0x0  }
0x75: {  	[sflag:s8] =	ssyncadd.s32 $0xFFFFC000  }
0x76: {  	[tilespmem:s7], [sflag:$0x1] =	stream.indirect.gather [hbm4b:s1+s6], $0x80, s15, s6, $0xb8;
	[tilespmem:$0x8400] =	vst v63  }
0x77: {  	_ = 	snop  }
0x78: {  	[hbm4b:s16+s3] =	stream.linear.scatter [tilespmem:s9], [sflag:$0x2], $0x4000, $0x38;
	[tilespmem:$0x8400] =	vst v63  }
0x79: {  	_ =	swait.ge [sflag:s4], $0x4000  }
0x7a: {  	[sflag:s4] =	ssyncset.done $0x0  }
0x7b: {  	[sflag:s4] =	ssyncadd.s32 $0xFFFFC000  }
0x7c: {  	_ =	swait.ge [sflag:s8], $0x4000  }
0x7d: {  	[sflag:s8] =	ssyncset.done $0x0  }
0x7e: {  	[sflag:s8] =	ssyncadd.s32 $0xFFFFC000  }
0x7f: {  	[tilespmem:s9], [sflag:$0x1] =	stream.indirect.gather [hbm4b:s1+s6], $0x80, s17, s6, $0xb8;
	[tilespmem:$0x8400] =	vst v63  }
0x80: {  	_ = 	snop  }
0x81: {  	[hbm4b:s18+s3] =	stream.linear.scatter [tilespmem:s7], [sflag:$0x2], $0x4000, $0x38;
	[tilespmem:$0x8400] =	vst v63  }
0x82: {  	_ =	swait.ge [sflag:s4], $0x4000  }
0x83: {  	[sflag:s4] =	ssyncset.done $0x0  }
0x84: {  	[sflag:s4] =	ssyncadd.s32 $0xFFFFC000  }
0x85: {  	_ =	swait.ge [sflag:s8], $0x4000  }
0x86: {  	[sflag:s8] =	ssyncset.done $0x0  }
0x87: {  	[sflag:s8] =	ssyncadd.s32 $0xFFFFC000  }
0x88: {  	[tilespmem:s7], [sflag:$0x1] =	stream.indirect.gather [hbm4b:s1+s6], $0x80, s19, s6, $0xb8;
	[tilespmem:$0x8400] =	vst v63  }
0x89: {  	_ = 	snop  }
0x8a: {  	[hbm4b:s20+s3] =	stream.linear.scatter [tilespmem:s9], [sflag:$0x2], $0x4000, $0x38;
	[tilespmem:$0x8400] =	vst v63  }
0x8b: {  	_ =	swait.ge [sflag:s4], $0x4000  }
0x8c: {  	[sflag:s4] =	ssyncset.done $0x0  }
0x8d: {  	[sflag:s4] =	ssyncadd.s32 $0xFFFFC000  }
0x8e: {  	_ =	swait.ge [sflag:s8], $0x4000  }
0x8f: {  	[sflag:s8] =	ssyncset.done $0x0  }
0x90: {  	[sflag:s8] =	ssyncadd.s32 $0xFFFFC000  }
0x91: {  	[tilespmem:s9], [sflag:$0x1] =	stream.indirect.gather [hbm4b:s1+s6], $0x80, s21, s6, $0xb8;
	[tilespmem:$0x8400] =	vst v63  }
0x92: {  	_ = 	snop  }
0x93: {  	[hbm4b:s22+s3] =	stream.linear.scatter [tilespmem:s7], [sflag:$0x2], $0x4000, $0x38;
	[tilespmem:$0x8400] =	vst v63  }
0x94: {  	_ =	swait.ge [sflag:s4], $0x4000  }
0x95: {  	[sflag:s4] =	ssyncset.done $0x0  }
0x96: {  	[sflag:s4] =	ssyncadd.s32 $0xFFFFC000  }
0x97: {  	_ =	swait.ge [sflag:s8], $0x4000  }
.Ltmp1:
0x98: {  	[sflag:s8] =	ssyncset.done $0x0;
	(pc) =	sbr.rel @p0 .LBB2_1-.Ltmp1, $4  }
0x99: {  	[sflag:s8] =	ssyncadd.s32 $0xFFFFC000  }
0x9a: {  	[hbm4b:s23+s3] =	stream.linear.scatter [tilespmem:s9], [sflag:$0x2], $0x4000, $0x38;
	[tilespmem:$0x8400] =	vst v63  }
0x9b: {  	_ =	swait.ge [sflag:s4], $0x4000  }
0x9c: {  	[sflag:s4] =	ssyncset.done $0x0  }
.LBB2_2:
0x9d: {  	[sflag:s4] =	ssyncadd.s32 $0xFFFFC000  }
0x9e: {  	_ =	sfence.sel $0x180000  }
0x9f: {  	[bflag:$0x0] =	sbarrier.arrive $0xFFFF  }
0xa0: {  	p0 =	sne.s32 s0, $0x0;
	_ =	strace $0x90000047  }
0xa1: {  	s0 =	sadd.s32 @!p0 $0x100000, s2;
	[bflag:$0x2] =	sbarrier.arrive $0xFFFF  }
0xa2: {  	[sflag:s0] =	ssyncadd.tile.s32 @!p0 $0x1;
	_ =	shalt  }
.Lfunc_end2:
_tile_overlayer_lowered:
.L_overlay_start_2:
0xa3: {  	(tag) =	ssettag $0x2  }
0xa4: {  	s0 =	rddreg [dreg:$0x0];
	s2 =	stileid.u32  }
0xa5: {  	s1 =	rddreg [dreg:$0x1];
	p0 =	sne.s32 s2, $0x0  }
0xa6: {  	s3 =	rddreg [dreg:$0x2];
	[bflag:$0x3] =	sbarrier.arrive $0xFFFF;
	s2 =	simm.s32 @!p0 $0x1C02  }
0xa7: {  	[timem:s3], [sflag:s2] =	dma.local @!p0 [hbm:s0], s1  }
0xa8: {  	s0 =	simm.s32 @!p0 $0x2  }
0xa9: {  	_ =	swait.ge @!p0 [sflag:s0], s1  }
0xaa: {  	s1 =	ssub.s32 @!p0 $0x0, s1;
	[sflag:s0] =	ssyncset.done @!p0 $0x0  }
0xab: {  	[sflag:s0] =	ssyncadd.s32 @!p0 s1  }
0xac: {  	[bflag:$0x3] =	sbarrier.arrive $0xFFFF  }
0xad: {  	_ =	shalt  }

</sc_bundles>
